<compile_context>
chip_gen: v7x
topology: tpu7x:2x2x1
jax: 0.10.2.dev20260603
libtpu: 0.0.44.dev20260713+nightly
codegen_flags: <defaults>
</compile_context>

<pallas_src>
import functools

import jax
import jax.numpy as jnp
from jax import lax
from jax.experimental import pallas as pl
from jax.experimental.pallas import tpu as pltpu
from jax.experimental.pallas import tpu_sc as plsc

K = 8192
D = 256
N = 32 * 576
M_TILE = 256
M_TILES = N // M_TILE
CHUNK = 256
LOSS_SCALE = 1.25 / (N * D)


def _dist_body(x_ref, w_ref, iota_ref, idx_ref, loss_ref, wt_ref, w2_ref):
    pid = pl.program_id(0)

    @pl.when(pid == 0)
    def _():
        w = w_ref[...]
        wt_ref[...] = w.T
        w2_ref[...] = jnp.sum(w * w, axis=1, keepdims=True).T

    x = x_ref[...]
    x2 = jnp.sum(x * x, axis=1, keepdims=True)
    xd = x + x

    vm = None
    va = None
    for c in range(K // CHUNK):
        sl = pl.ds(c * CHUNK, CHUNK)
        m2 = lax.dot_general(xd, wt_ref[:, sl], (((1,), (0,)), ((), ())),
                             preferred_element_type=jnp.float32)
        d_c = x2 + w2_ref[:, sl] - m2
        if c == 0:
            vm = d_c
            va = jnp.zeros((M_TILE, CHUNK), jnp.float32)
        else:
            lt = d_c < vm
            va = jnp.where(lt, jnp.float32(c), va)
            vm = jnp.minimum(vm, d_c)

    dmin = jnp.min(vm, axis=1, keepdims=True)
    lane = jnp.broadcast_to(iota_ref[...], (M_TILE, CHUNK))
    abs_idx = va * jnp.float32(CHUNK) + lane
    idxf = jnp.min(jnp.where(vm == dmin, abs_idx, jnp.float32(K)),
                   axis=1, keepdims=True)
    idx_ref[...] = idxf.astype(jnp.int32)

    part = jnp.sum(dmin)
    prev = jnp.where(pid == 0, 0.0, loss_ref[0, 0])
    acc = prev + part
    loss_ref[0, 0] = jnp.where(pid == M_TILES - 1, acc * LOSS_SCALE, acc)


_dist_call = pl.pallas_call(
    _dist_body,
    grid=(M_TILES,),
    in_specs=[
        pl.BlockSpec((M_TILE, D), lambda m: (m, 0)),
        pl.BlockSpec((K, D), lambda m: (0, 0)),
        pl.BlockSpec((1, CHUNK), lambda m: (0, 0)),
    ],
    out_specs=[
        pl.BlockSpec((M_TILE, 1), lambda m: (m, 0)),
        pl.BlockSpec(memory_space=pltpu.SMEM, block_shape=(1, 1),
                     index_map=lambda m: (0, 0)),
    ],
    out_shape=[
        jax.ShapeDtypeStruct((N, 1), jnp.int32),
        jax.ShapeDtypeStruct((1, 1), jnp.float32),
    ],
    scratch_shapes=[pltpu.VMEM((D, K), jnp.float32),
                    pltpu.VMEM((1, K), jnp.float32)],
    compiler_params=pltpu.CompilerParams(
        dimension_semantics=("arbitrary",)),
)


SC_CORES = 2
SC_SUBCORES = 16


@functools.cache
def _make_sc_gather():
    nw = SC_CORES * SC_SUBCORES
    b_per_w = N // nw
    ch = b_per_w // 4
    mesh = plsc.VectorSubcoreMesh(core_axis_name="c", subcore_axis_name="s")

    @functools.partial(
        pl.kernel, mesh=mesh,
        out_type=jax.ShapeDtypeStruct((N, D), jnp.float32),
        scratch_types=[
            pltpu.VMEM((b_per_w,), jnp.int32),
            pltpu.VMEM((ch, D), jnp.float32),
            pltpu.VMEM((ch, D), jnp.float32),
            pltpu.SemaphoreType.DMA,
            pltpu.SemaphoreType.DMA,
        ],
    )
    def gather(table_hbm, idx_hbm, out_hbm, idx_v, rows0, rows1, sem0, sem1):
        wid = lax.axis_index("s") * SC_CORES + lax.axis_index("c")
        base = wid * b_per_w
        pltpu.sync_copy(idx_hbm.at[pl.ds(base, b_per_w)], idx_v)
        rows = (rows0, rows1)
        sems = (sem0, sem1)
        cps = [pltpu.async_copy(table_hbm.at[idx_v.at[pl.ds(0, ch)]],
                                rows[0], sems[0]), None]
        for c in range(b_per_w // ch):
            if c + 1 < b_per_w // ch:
                b = (c + 1) % 2
                cps[b] = pltpu.async_copy(
                    table_hbm.at[idx_v.at[pl.ds((c + 1) * ch, ch)]],
                    rows[b], sems[b])
            cps[c % 2].wait()
            pltpu.sync_copy(rows[c % 2], out_hbm.at[pl.ds(base + c * ch, ch)])

    return gather


def kernel(x, W):
    flat_x = x.reshape(N, D)
    iota_row = jnp.arange(CHUNK, dtype=jnp.float32)[None, :]
    idx2d, loss11 = _dist_call(flat_x, W, iota_row)
    quant = _make_sc_gather()(W, idx2d.reshape(N))
    return (quant.reshape(x.shape), loss11.reshape(()), idx2d)

# --- scband reference (transcript-rebuilt; emitter-appended) ---
"""Pipeline reference for scband-vector-quantizer-29145648070707 (READ-ONLY COPY).

The authoritative reference and input builder live on the scoring server;
editing this copy changes nothing except your own understanding.
"""

import jax, jax.numpy as jnp
import numpy as np

NUM_EMBEDDINGS = 8192
CODE_DIM = 256
COMMITMENT_COST = 0.25


def setup_inputs(seed: int = 0) -> dict:
    key = jax.random.key(seed)
    k1, k2 = jax.random.split(key)
    x = jax.random.normal(k1, (32, 576, CODE_DIM), dtype=jnp.float32)
    W = jax.random.normal(k2, (NUM_EMBEDDINGS, CODE_DIM), dtype=jnp.float32) * 0.02
    return {"x": x, "W": W}


def reference(x, W):
    flat_x = x.reshape(-1, CODE_DIM)
    distances = (
        jnp.sum(flat_x ** 2, axis=1, keepdims=True)
        + jnp.sum(W ** 2, axis=1)
        - 2.0 * jnp.matmul(flat_x, W.T)
    )
    encoding_indices = jnp.argmin(distances, axis=1)[:, None]
    quantized = jnp.take(W, encoding_indices[:, 0], axis=0).reshape(x.shape)
    e_latent_loss = jnp.mean((jax.lax.stop_gradient(quantized) - x) ** 2)
    q_latent_loss = jnp.mean((quantized - jax.lax.stop_gradient(x)) ** 2)
    loss = q_latent_loss + COMMITMENT_COST * e_latent_loss
    quantized_st = x + jax.lax.stop_gradient(quantized - x)
    return (quantized_st, loss, encoding_indices)

if __name__ == "__main__":
    import jax
    _d = setup_inputs()
    print(jax.jit(kernel)(*tuple(_d.values())))

</pallas_src>

<mosaic_0001>
#map = affine_map<(d0, d1) -> (0, 0)>
#map1 = affine_map<(d0, d1) -> (0)>
module attributes {stable_mosaic.version = 14 : i64} {
  func.func @gather(%arg0: i32, %arg1: i32, %arg2: memref<8192x256xf32, #tpu.memory_space<hbm>>, %arg3: memref<18432xi32, #tpu.memory_space<hbm>>, %arg4: memref<18432x256xf32, #tpu.memory_space<hbm>>, %arg5: memref<576xi32, #tpu.memory_space<vmem>>, %arg6: memref<144x256xf32, #tpu.memory_space<vmem>>, %arg7: memref<144x256xf32, #tpu.memory_space<vmem>>, %arg8: memref<!tpu.dma_semaphore, #tpu.memory_space<semaphore_mem>>, %arg9: memref<!tpu.dma_semaphore, #tpu.memory_space<semaphore_mem>>) attributes {dimension_semantics = [#tpu.dimension_semantics<core_parallel>, #tpu.dimension_semantics<subcore_parallel>], iteration_bounds = array<i64: 2, 16>, scalar_prefetch = 0 : i64, scratch_operands = 5 : i64, tpu.core_type = #tpu.core_type<sc_vector_subcore>, window_params = [{transform_indices = #map}, {transform_indices = #map1}, {transform_indices = #map}]} {
    %mul3A = arith.constant 2 : i32
    %mul3A_0 = arith.muli %arg1, %mul3A : i32
    %add3A = arith.addi %mul3A_0, %arg0 : i32
    %mul3A_1 = arith.constant 576 : i32
    %mul3A_2 = arith.muli %add3A, %mul3A_1 : i32
    "tpu.region"() ({
      %run_scoped3A = tpu.sem_alloc : memref<!tpu.dma_semaphore, #tpu.memory_space<semaphore_mem>>
      %dma_start3A_49 = tpu.memref_slice %arg3[%mul3A_2] : memref<18432xi32, #tpu.memory_space<hbm>> -> memref<576xi32, #tpu.memory_space<hbm>>
      %dma_start3A_50 = tpu.memref_slice %arg3[%mul3A_2] : memref<18432xi32, #tpu.memory_space<hbm>> -> memref<576xi32, #tpu.memory_space<hbm>>
      tpu.enqueue_dma source(%dma_start3A_50 : memref<576xi32, #tpu.memory_space<hbm>>) target(%arg5 : memref<576xi32, #tpu.memory_space<vmem>>) target_semaphore(%run_scoped3A : memref<!tpu.dma_semaphore, #tpu.memory_space<semaphore_mem>>)
      %dma_wait3A_51 = tpu.memref_slice %arg3[%mul3A_2] : memref<18432xi32, #tpu.memory_space<hbm>> -> memref<576xi32, #tpu.memory_space<hbm>>
      %dma_wait3A_52 = tpu.memref_slice %arg3[%mul3A_2] : memref<18432xi32, #tpu.memory_space<hbm>> -> memref<576xi32, #tpu.memory_space<hbm>>
      tpu.wait_dma2 semaphore(%run_scoped3A : memref<!tpu.dma_semaphore, #tpu.memory_space<semaphore_mem>>) src(%dma_wait3A_52 : memref<576xi32, #tpu.memory_space<hbm>>) dst(%arg5 : memref<576xi32, #tpu.memory_space<vmem>>)
      tpu.yield
    }) : () -> ()
    %dma_start3A = arith.constant 0 : i32
    %dma_start3A_3 = tpu.memref_slice %arg5[%dma_start3A] : memref<576xi32, #tpu.memory_space<vmem>> -> memref<144xi32, #tpu.memory_space<vmem>>
    %dma_start3A_4 = arith.constant 0 : i32
    %dma_start3A_5 = arith.constant 0 : i32
    %dma_start3A_6 = tpu.memref_slice %arg2[%dma_start3A_4, %dma_start3A_5] : memref<8192x256xf32, #tpu.memory_space<hbm>> -> memref<8192x256xf32, #tpu.memory_space<hbm>>
    tpu.enqueue_indirect_dma source(%dma_start3A_6 : memref<8192x256xf32, #tpu.memory_space<hbm>>) target(%arg6 : memref<144x256xf32, #tpu.memory_space<vmem>>) offsets(%dma_start3A_3 : memref<144xi32, #tpu.memory_space<vmem>>) semaphore(%arg8 : memref<!tpu.dma_semaphore, #tpu.memory_space<semaphore_mem>>)
    %dma_start3A_7 = arith.constant 144 : i32
    %dma_start3A_8 = tpu.memref_slice %arg5[%dma_start3A_7] : memref<576xi32, #tpu.memory_space<vmem>> -> memref<144xi32, #tpu.memory_space<vmem>>
    %dma_start3A_9 = arith.constant 0 : i32
    %dma_start3A_10 = arith.constant 0 : i32
    %dma_start3A_11 = tpu.memref_slice %arg2[%dma_start3A_9, %dma_start3A_10] : memref<8192x256xf32, #tpu.memory_space<hbm>> -> memref<8192x256xf32, #tpu.memory_space<hbm>>
    tpu.enqueue_indirect_dma source(%dma_start3A_11 : memref<8192x256xf32, #tpu.memory_space<hbm>>) target(%arg7 : memref<144x256xf32, #tpu.memory_space<vmem>>) offsets(%dma_start3A_8 : memref<144xi32, #tpu.memory_space<vmem>>) semaphore(%arg9 : memref<!tpu.dma_semaphore, #tpu.memory_space<semaphore_mem>>)
    %dma_wait3A = arith.constant 0 : i32
    %dma_wait3A_12 = tpu.memref_slice %arg5[%dma_wait3A] : memref<576xi32, #tpu.memory_space<vmem>> -> memref<144xi32, #tpu.memory_space<vmem>>
    %dma_wait3A_13 = arith.constant 0 : i32
    %dma_wait3A_14 = arith.constant 0 : i32
    %dma_wait3A_15 = tpu.memref_slice %arg2[%dma_wait3A_13, %dma_wait3A_14] : memref<8192x256xf32, #tpu.memory_space<hbm>> -> memref<8192x256xf32, #tpu.memory_space<hbm>>
    tpu.wait_indirect_dma semaphore(%arg8 : memref<!tpu.dma_semaphore, #tpu.memory_space<semaphore_mem>>) src(%dma_wait3A_15 : memref<8192x256xf32, #tpu.memory_space<hbm>>) dst(%arg6 : memref<144x256xf32, #tpu.memory_space<vmem>>)
    %add3A_16 = arith.constant 0 : i32
    %add3A_17 = arith.addi %mul3A_2, %add3A_16 : i32
    "tpu.region"() ({
      %run_scoped3A = tpu.sem_alloc : memref<!tpu.dma_semaphore, #tpu.memory_space<semaphore_mem>>
      %dma_start3A_49 = arith.constant 0 : i32
      %dma_start3A_50 = tpu.memref_slice %arg4[%add3A_17, %dma_start3A_49] : memref<18432x256xf32, #tpu.memory_space<hbm>> -> memref<144x256xf32, #tpu.memory_space<hbm>>
      %dma_start3A_51 = arith.constant 0 : i32
      %dma_start3A_52 = tpu.memref_slice %arg4[%add3A_17, %dma_start3A_51] : memref<18432x256xf32, #tpu.memory_space<hbm>> -> memref<144x256xf32, #tpu.memory_space<hbm>>
      tpu.enqueue_dma source(%arg6 : memref<144x256xf32, #tpu.memory_space<vmem>>) target(%dma_start3A_52 : memref<144x256xf32, #tpu.memory_space<hbm>>) target_semaphore(%run_scoped3A : memref<!tpu.dma_semaphore, #tpu.memory_space<semaphore_mem>>)
      %dma_wait3A_53 = arith.constant 0 : i32
      %dma_wait3A_54 = tpu.memref_slice %arg4[%add3A_17, %dma_wait3A_53] : memref<18432x256xf32, #tpu.memory_space<hbm>> -> memref<144x256xf32, #tpu.memory_space<hbm>>
      %dma_wait3A_55 = arith.constant 0 : i32
      %dma_wait3A_56 = tpu.memref_slice %arg4[%add3A_17, %dma_wait3A_55] : memref<18432x256xf32, #tpu.memory_space<hbm>> -> memref<144x256xf32, #tpu.memory_space<hbm>>
      tpu.wait_dma2 semaphore(%run_scoped3A : memref<!tpu.dma_semaphore, #tpu.memory_space<semaphore_mem>>) src(%arg6 : memref<144x256xf32, #tpu.memory_space<vmem>>) dst(%dma_wait3A_56 : memref<144x256xf32, #tpu.memory_space<hbm>>)
      tpu.yield
    }) : () -> ()
    %dma_start3A_18 = arith.constant 288 : i32
    %dma_start3A_19 = tpu.memref_slice %arg5[%dma_start3A_18] : memref<576xi32, #tpu.memory_space<vmem>> -> memref<144xi32, #tpu.memory_space<vmem>>
    %dma_start3A_20 = arith.constant 0 : i32
    %dma_start3A_21 = arith.constant 0 : i32
    %dma_start3A_22 = tpu.memref_slice %arg2[%dma_start3A_20, %dma_start3A_21] : memref<8192x256xf32, #tpu.memory_space<hbm>> -> memref<8192x256xf32, #tpu.memory_space<hbm>>
    tpu.enqueue_indirect_dma source(%dma_start3A_22 : memref<8192x256xf32, #tpu.memory_space<hbm>>) target(%arg6 : memref<144x256xf32, #tpu.memory_space<vmem>>) offsets(%dma_start3A_19 : memref<144xi32, #tpu.memory_space<vmem>>) semaphore(%arg8 : memref<!tpu.dma_semaphore, #tpu.memory_space<semaphore_mem>>)
    %dma_wait3A_23 = arith.constant 144 : i32
    %dma_wait3A_24 = tpu.memref_slice %arg5[%dma_wait3A_23] : memref<576xi32, #tpu.memory_space<vmem>> -> memref<144xi32, #tpu.memory_space<vmem>>
    %dma_wait3A_25 = arith.constant 0 : i32
    %dma_wait3A_26 = arith.constant 0 : i32
    %dma_wait3A_27 = tpu.memref_slice %arg2[%dma_wait3A_25, %dma_wait3A_26] : memref<8192x256xf32, #tpu.memory_space<hbm>> -> memref<8192x256xf32, #tpu.memory_space<hbm>>
    tpu.wait_indirect_dma semaphore(%arg9 : memref<!tpu.dma_semaphore, #tpu.memory_space<semaphore_mem>>) src(%dma_wait3A_27 : memref<8192x256xf32, #tpu.memory_space<hbm>>) dst(%arg7 : memref<144x256xf32, #tpu.memory_space<vmem>>)
    %add3A_28 = arith.constant 144 : i32
    %add3A_29 = arith.addi %mul3A_2, %add3A_28 : i32
    "tpu.region"() ({
      %run_scoped3A = tpu.sem_alloc : memref<!tpu.dma_semaphore, #tpu.memory_space<semaphore_mem>>
      %dma_start3A_49 = arith.constant 0 : i32
      %dma_start3A_50 = tpu.memref_slice %arg4[%add3A_29, %dma_start3A_49] : memref<18432x256xf32, #tpu.memory_space<hbm>> -> memref<144x256xf32, #tpu.memory_space<hbm>>
      %dma_start3A_51 = arith.constant 0 : i32
      %dma_start3A_52 = tpu.memref_slice %arg4[%add3A_29, %dma_start3A_51] : memref<18432x256xf32, #tpu.memory_space<hbm>> -> memref<144x256xf32, #tpu.memory_space<hbm>>
      tpu.enqueue_dma source(%arg7 : memref<144x256xf32, #tpu.memory_space<vmem>>) target(%dma_start3A_52 : memref<144x256xf32, #tpu.memory_space<hbm>>) target_semaphore(%run_scoped3A : memref<!tpu.dma_semaphore, #tpu.memory_space<semaphore_mem>>)
      %dma_wait3A_53 = arith.constant 0 : i32
      %dma_wait3A_54 = tpu.memref_slice %arg4[%add3A_29, %dma_wait3A_53] : memref<18432x256xf32, #tpu.memory_space<hbm>> -> memref<144x256xf32, #tpu.memory_space<hbm>>
      %dma_wait3A_55 = arith.constant 0 : i32
      %dma_wait3A_56 = tpu.memref_slice %arg4[%add3A_29, %dma_wait3A_55] : memref<18432x256xf32, #tpu.memory_space<hbm>> -> memref<144x256xf32, #tpu.memory_space<hbm>>
      tpu.wait_dma2 semaphore(%run_scoped3A : memref<!tpu.dma_semaphore, #tpu.memory_space<semaphore_mem>>) src(%arg7 : memref<144x256xf32, #tpu.memory_space<vmem>>) dst(%dma_wait3A_56 : memref<144x256xf32, #tpu.memory_space<hbm>>)
      tpu.yield
    }) : () -> ()
    %dma_start3A_30 = arith.constant 432 : i32
    %dma_start3A_31 = tpu.memref_slice %arg5[%dma_start3A_30] : memref<576xi32, #tpu.memory_space<vmem>> -> memref<144xi32, #tpu.memory_space<vmem>>
    %dma_start3A_32 = arith.constant 0 : i32
    %dma_start3A_33 = arith.constant 0 : i32
    %dma_start3A_34 = tpu.memref_slice %arg2[%dma_start3A_32, %dma_start3A_33] : memref<8192x256xf32, #tpu.memory_space<hbm>> -> memref<8192x256xf32, #tpu.memory_space<hbm>>
    tpu.enqueue_indirect_dma source(%dma_start3A_34 : memref<8192x256xf32, #tpu.memory_space<hbm>>) target(%arg7 : memref<144x256xf32, #tpu.memory_space<vmem>>) offsets(%dma_start3A_31 : memref<144xi32, #tpu.memory_space<vmem>>) semaphore(%arg9 : memref<!tpu.dma_semaphore, #tpu.memory_space<semaphore_mem>>)
    %dma_wait3A_35 = arith.constant 288 : i32
    %dma_wait3A_36 = tpu.memref_slice %arg5[%dma_wait3A_35] : memref<576xi32, #tpu.memory_space<vmem>> -> memref<144xi32, #tpu.memory_space<vmem>>
    %dma_wait3A_37 = arith.constant 0 : i32
    %dma_wait3A_38 = arith.constant 0 : i32
    %dma_wait3A_39 = tpu.memref_slice %arg2[%dma_wait3A_37, %dma_wait3A_38] : memref<8192x256xf32, #tpu.memory_space<hbm>> -> memref<8192x256xf32, #tpu.memory_space<hbm>>
    tpu.wait_indirect_dma semaphore(%arg8 : memref<!tpu.dma_semaphore, #tpu.memory_space<semaphore_mem>>) src(%dma_wait3A_39 : memref<8192x256xf32, #tpu.memory_space<hbm>>) dst(%arg6 : memref<144x256xf32, #tpu.memory_space<vmem>>)
    %add3A_40 = arith.constant 288 : i32
    %add3A_41 = arith.addi %mul3A_2, %add3A_40 : i32
    "tpu.region"() ({
      %run_scoped3A = tpu.sem_alloc : memref<!tpu.dma_semaphore, #tpu.memory_space<semaphore_mem>>
      %dma_start3A_49 = arith.constant 0 : i32
      %dma_start3A_50 = tpu.memref_slice %arg4[%add3A_41, %dma_start3A_49] : memref<18432x256xf32, #tpu.memory_space<hbm>> -> memref<144x256xf32, #tpu.memory_space<hbm>>
      %dma_start3A_51 = arith.constant 0 : i32
      %dma_start3A_52 = tpu.memref_slice %arg4[%add3A_41, %dma_start3A_51] : memref<18432x256xf32, #tpu.memory_space<hbm>> -> memref<144x256xf32, #tpu.memory_space<hbm>>
      tpu.enqueue_dma source(%arg6 : memref<144x256xf32, #tpu.memory_space<vmem>>) target(%dma_start3A_52 : memref<144x256xf32, #tpu.memory_space<hbm>>) target_semaphore(%run_scoped3A : memref<!tpu.dma_semaphore, #tpu.memory_space<semaphore_mem>>)
      %dma_wait3A_53 = arith.constant 0 : i32
      %dma_wait3A_54 = tpu.memref_slice %arg4[%add3A_41, %dma_wait3A_53] : memref<18432x256xf32, #tpu.memory_space<hbm>> -> memref<144x256xf32, #tpu.memory_space<hbm>>
      %dma_wait3A_55 = arith.constant 0 : i32
      %dma_wait3A_56 = tpu.memref_slice %arg4[%add3A_41, %dma_wait3A_55] : memref<18432x256xf32, #tpu.memory_space<hbm>> -> memref<144x256xf32, #tpu.memory_space<hbm>>
      tpu.wait_dma2 semaphore(%run_scoped3A : memref<!tpu.dma_semaphore, #tpu.memory_space<semaphore_mem>>) src(%arg6 : memref<144x256xf32, #tpu.memory_space<vmem>>) dst(%dma_wait3A_56 : memref<144x256xf32, #tpu.memory_space<hbm>>)
      tpu.yield
    }) : () -> ()
    %dma_wait3A_42 = arith.constant 432 : i32
    %dma_wait3A_43 = tpu.memref_slice %arg5[%dma_wait3A_42] : memref<576xi32, #tpu.memory_space<vmem>> -> memref<144xi32, #tpu.memory_space<vmem>>
    %dma_wait3A_44 = arith.constant 0 : i32
    %dma_wait3A_45 = arith.constant 0 : i32
    %dma_wait3A_46 = tpu.memref_slice %arg2[%dma_wait3A_44, %dma_wait3A_45] : memref<8192x256xf32, #tpu.memory_space<hbm>> -> memref<8192x256xf32, #tpu.memory_space<hbm>>
    tpu.wait_indirect_dma semaphore(%arg9 : memref<!tpu.dma_semaphore, #tpu.memory_space<semaphore_mem>>) src(%dma_wait3A_46 : memref<8192x256xf32, #tpu.memory_space<hbm>>) dst(%arg7 : memref<144x256xf32, #tpu.memory_space<vmem>>)
    %add3A_47 = arith.constant 432 : i32
    %add3A_48 = arith.addi %mul3A_2, %add3A_47 : i32
    "tpu.region"() ({
      %run_scoped3A = tpu.sem_alloc : memref<!tpu.dma_semaphore, #tpu.memory_space<semaphore_mem>>
      %dma_start3A_49 = arith.constant 0 : i32
      %dma_start3A_50 = tpu.memref_slice %arg4[%add3A_48, %dma_start3A_49] : memref<18432x256xf32, #tpu.memory_space<hbm>> -> memref<144x256xf32, #tpu.memory_space<hbm>>
      %dma_start3A_51 = arith.constant 0 : i32
      %dma_start3A_52 = tpu.memref_slice %arg4[%add3A_48, %dma_start3A_51] : memref<18432x256xf32, #tpu.memory_space<hbm>> -> memref<144x256xf32, #tpu.memory_space<hbm>>
      tpu.enqueue_dma source(%arg7 : memref<144x256xf32, #tpu.memory_space<vmem>>) target(%dma_start3A_52 : memref<144x256xf32, #tpu.memory_space<hbm>>) target_semaphore(%run_scoped3A : memref<!tpu.dma_semaphore, #tpu.memory_space<semaphore_mem>>)
      %dma_wait3A_53 = arith.constant 0 : i32
      %dma_wait3A_54 = tpu.memref_slice %arg4[%add3A_48, %dma_wait3A_53] : memref<18432x256xf32, #tpu.memory_space<hbm>> -> memref<144x256xf32, #tpu.memory_space<hbm>>
      %dma_wait3A_55 = arith.constant 0 : i32
      %dma_wait3A_56 = tpu.memref_slice %arg4[%add3A_48, %dma_wait3A_55] : memref<18432x256xf32, #tpu.memory_space<hbm>> -> memref<144x256xf32, #tpu.memory_space<hbm>>
      tpu.wait_dma2 semaphore(%run_scoped3A : memref<!tpu.dma_semaphore, #tpu.memory_space<semaphore_mem>>) src(%arg7 : memref<144x256xf32, #tpu.memory_space<vmem>>) dst(%dma_wait3A_56 : memref<144x256xf32, #tpu.memory_space<hbm>>)
      tpu.yield
    }) : () -> ()
    return
  }
}

module attributes {stable_mosaic.version = 14 : i64} {
  func.func @_dist_body(%arg0: i32, %arg1: memref<256x256xf32, #tpu.memory_space<vmem>>, %arg2: memref<8192x256xf32, #tpu.memory_space<vmem>>, %arg3: memref<1x256xf32, #tpu.memory_space<vmem>>, %arg4: memref<256x1xi32, #tpu.memory_space<vmem>>, %arg5: memref<1x1xf32, #tpu.memory_space<smem>>, %arg6: memref<256x8192xf32, #tpu.memory_space<vmem>>, %arg7: memref<1x8192xf32, #tpu.memory_space<vmem>>) attributes {dimension_semantics = [#tpu.dimension_semantics<arbitrary>], iteration_bounds = array<i64: 72>, scalar_prefetch = 0 : i64, scratch_operands = 2 : i64, tpu.core_type = #tpu.core_type<tc>, window_params = [{transform_indices = @transform_0, window_bounds = array<i64: 256, 256>}, {pipeline_mode = #tpu.pipeline_mode<synchronous>, transform_indices = @transform_1, window_bounds = array<i64: 8192, 256>}, {pipeline_mode = #tpu.pipeline_mode<synchronous>, transform_indices = @transform_2, window_bounds = array<i64: 1, 256>}, {transform_indices = @transform_3, window_bounds = array<i64: 256, 1>}, {transform_indices = @transform_4, window_bounds = array<i64: 1, 1>}]} {
    %eq3A = arith.constant 0 : i32
    %eq3A_0 = arith.cmpi eq, %arg0, %eq3A : i32
    %convert_element_type3A = arith.extui %eq3A_0 : i1 to i32
    %cond3A = arith.constant 0 : i32
    %cond3A_1 = arith.cmpi ne, %convert_element_type3A, %cond3A : i32
    scf.if %cond3A_1 {
      %get3A_583 = arith.constant 0 : index
      %get3A_584 = arith.constant 0 : index
      %get3A_585 = vector.load %arg2[%get3A_583, %get3A_584] : memref<8192x256xf32, #tpu.memory_space<vmem>>, vector<8192x256xf32>
      %transpose3A = tpu.transpose %get3A_585, [1, 0] : vector<8192x256xf32> -> vector<256x8192xf32>
      %swap3A_586 = arith.constant 0 : index
      %swap3A_587 = arith.constant 0 : index
      %swap3A_588 = vector.load %arg6[%swap3A_586, %swap3A_587] : memref<256x8192xf32, #tpu.memory_space<vmem>>, vector<256x8192xf32>
      tpu.vector_store %arg6[%swap3A_586, %swap3A_587], %transpose3A {strides = array<i32>} : memref<256x8192xf32, #tpu.memory_space<vmem>>, vector<256x8192xf32>,
      %mul3A_589 = arith.mulf %get3A_585, %get3A_585 : vector<8192x256xf32>
      %reduce_sum3A_590 = arith.constant dense<0.000000e+00> : vector<8192xf32>
      %reduce_sum3A_591 = vector.multi_reduction <add>, %mul3A_589, %reduce_sum3A_590 [1] : vector<8192x256xf32> to vector<8192xf32>
      %broadcast_in_dim3A_592 = vector.shape_cast %reduce_sum3A_591 : vector<8192xf32> to vector<8192x1xf32>
      %transpose3A_593 = tpu.transpose %broadcast_in_dim3A_592, [1, 0] : vector<8192x1xf32> -> vector<1x8192xf32>
      %swap3A_594 = arith.constant 0 : index
      %swap3A_595 = arith.constant 0 : index
      %swap3A_596 = vector.load %arg7[%swap3A_594, %swap3A_595] : memref<1x8192xf32, #tpu.memory_space<vmem>>, vector<1x8192xf32>
      tpu.vector_store %arg7[%swap3A_594, %swap3A_595], %transpose3A_593 {strides = array<i32>} : memref<1x8192xf32, #tpu.memory_space<vmem>>, vector<1x8192xf32>,
    } else {
    }
    %get3A = arith.constant 0 : index
    %get3A_2 = arith.constant 0 : index
    %get3A_3 = vector.load %arg1[%get3A, %get3A_2] : memref<256x256xf32, #tpu.memory_space<vmem>>, vector<256x256xf32>
    %mul3A = arith.mulf %get3A_3, %get3A_3 : vector<256x256xf32>
    %reduce_sum3A = arith.constant dense<0.000000e+00> : vector<256xf32>
    %reduce_sum3A_4 = vector.multi_reduction <add>, %mul3A, %reduce_sum3A [1] : vector<256x256xf32> to vector<256xf32>
    %broadcast_in_dim3A = vector.shape_cast %reduce_sum3A_4 : vector<256xf32> to vector<256x1xf32>
    %add3A = arith.addf %get3A_3, %get3A_3 : vector<256x256xf32>
    %get3A_5 = arith.constant 0 : index
    %get3A_6 = arith.constant 0 : index
    %get3A_7 = vector.load %arg6[%get3A_5, %get3A_6] : memref<256x8192xf32, #tpu.memory_space<vmem>>, vector<256x256xf32>
    %dot_general3A = arith.constant dense<0.000000e+00> : vector<256x256xf32>
    %dot_general3A_8 = tpu.matmul %add3A, %get3A_7, %dot_general3A {dimension_numbers = #tpu.dot_dimension_numbers<[1], [0], [0], [1], [0, 0, 1, 1], [], []>, transpose_lhs_hint = false} : vector<256x256xf32>, vector<256x256xf32>, vector<256x256xf32> -> vector<256x256xf32>
    %get3A_9 = arith.constant 0 : index
    %get3A_10 = arith.constant 0 : index
    %get3A_11 = vector.load %arg7[%get3A_9, %get3A_10] : memref<1x8192xf32, #tpu.memory_space<vmem>>, vector<1x256xf32>
    %add3A_12 = vector.broadcast %broadcast_in_dim3A : vector<256x1xf32> to vector<256x256xf32>
    %add3A_13 = vector.broadcast %get3A_11 : vector<1x256xf32> to vector<256x256xf32>
    %add3A_14 = arith.addf %add3A_12, %add3A_13 : vector<256x256xf32>
    %sub3A = arith.subf %add3A_14, %dot_general3A_8 : vector<256x256xf32>
    %broadcast_in_dim3A_15 = arith.constant 0.000000e+00 : f32
    %broadcast_in_dim3A_16 = vector.broadcast %broadcast_in_dim3A_15 : f32 to vector<256x256xf32>
    %get3A_17 = arith.constant 0 : index
    %get3A_18 = arith.constant 256 : index
    %get3A_19 = vector.load %arg6[%get3A_17, %get3A_18] : memref<256x8192xf32, #tpu.memory_space<vmem>>, vector<256x256xf32>
    %dot_general3A_20 = arith.constant dense<0.000000e+00> : vector<256x256xf32>
    %dot_general3A_21 = tpu.matmul %add3A, %get3A_19, %dot_general3A_20 {dimension_numbers = #tpu.dot_dimension_numbers<[1], [0], [0], [1], [0, 0, 1, 1], [], []>, transpose_lhs_hint = false} : vector<256x256xf32>, vector<256x256xf32>, vector<256x256xf32> -> vector<256x256xf32>
    %get3A_22 = arith.constant 0 : index
    %get3A_23 = arith.constant 256 : index
    %get3A_24 = vector.load %arg7[%get3A_22, %get3A_23] : memref<1x8192xf32, #tpu.memory_space<vmem>>, vector<1x256xf32>
    %add3A_25 = vector.broadcast %broadcast_in_dim3A : vector<256x1xf32> to vector<256x256xf32>
    %add3A_26 = vector.broadcast %get3A_24 : vector<1x256xf32> to vector<256x256xf32>
    %add3A_27 = arith.addf %add3A_25, %add3A_26 : vector<256x256xf32>
    %sub3A_28 = arith.subf %add3A_27, %dot_general3A_21 : vector<256x256xf32>
    %lt3A = arith.cmpf olt, %sub3A_28, %sub3A : vector<256x256xf32>
    %jit3A = arith.constant 1.000000e+00 : f32
    %broadcast_in_dim3A_29 = vector.broadcast %jit3A : f32 to vector<256x256xf32>
    %select_n3A = arith.select %lt3A, %broadcast_in_dim3A_29, %broadcast_in_dim3A_16 : vector<256x256xi1>, vector<256x256xf32>
    %min3A = arith.minimumf %sub3A, %sub3A_28 : vector<256x256xf32>
    %get3A_30 = arith.constant 0 : index
    %get3A_31 = arith.constant 512 : index
    %get3A_32 = vector.load %arg6[%get3A_30, %get3A_31] : memref<256x8192xf32, #tpu.memory_space<vmem>>, vector<256x256xf32>
    %dot_general3A_33 = arith.constant dense<0.000000e+00> : vector<256x256xf32>
    %dot_general3A_34 = tpu.matmul %add3A, %get3A_32, %dot_general3A_33 {dimension_numbers = #tpu.dot_dimension_numbers<[1], [0], [0], [1], [0, 0, 1, 1], [], []>, transpose_lhs_hint = false} : vector<256x256xf32>, vector<256x256xf32>, vector<256x256xf32> -> vector<256x256xf32>
    %get3A_35 = arith.constant 0 : index
    %get3A_36 = arith.constant 512 : index
    %get3A_37 = vector.load %arg7[%get3A_35, %get3A_36] : memref<1x8192xf32, #tpu.memory_space<vmem>>, vector<1x256xf32>
    %add3A_38 = vector.broadcast %broadcast_in_dim3A : vector<256x1xf32> to vector<256x256xf32>
    %add3A_39 = vector.broadcast %get3A_37 : vector<1x256xf32> to vector<256x256xf32>
    %add3A_40 = arith.addf %add3A_38, %add3A_39 : vector<256x256xf32>
    %sub3A_41 = arith.subf %add3A_40, %dot_general3A_34 : vector<256x256xf32>
    %lt3A_42 = arith.cmpf olt, %sub3A_41, %min3A : vector<256x256xf32>
    %jit3A_43 = arith.constant 2.000000e+00 : f32
    %broadcast_in_dim3A_44 = vector.broadcast %jit3A_43 : f32 to vector<256x256xf32>
    %select_n3A_45 = arith.select %lt3A_42, %broadcast_in_dim3A_44, %select_n3A : vector<256x256xi1>, vector<256x256xf32>
    %min3A_46 = arith.minimumf %min3A, %sub3A_41 : vector<256x256xf32>
    %get3A_47 = arith.constant 0 : index
    %get3A_48 = arith.constant 768 : index
    %get3A_49 = vector.load %arg6[%get3A_47, %get3A_48] : memref<256x8192xf32, #tpu.memory_space<vmem>>, vector<256x256xf32>
    %dot_general3A_50 = arith.constant dense<0.000000e+00> : vector<256x256xf32>
    %dot_general3A_51 = tpu.matmul %add3A, %get3A_49, %dot_general3A_50 {dimension_numbers = #tpu.dot_dimension_numbers<[1], [0], [0], [1], [0, 0, 1, 1], [], []>, transpose_lhs_hint = false} : vector<256x256xf32>, vector<256x256xf32>, vector<256x256xf32> -> vector<256x256xf32>
    %get3A_52 = arith.constant 0 : index
    %get3A_53 = arith.constant 768 : index
    %get3A_54 = vector.load %arg7[%get3A_52, %get3A_53] : memref<1x8192xf32, #tpu.memory_space<vmem>>, vector<1x256xf32>
    %add3A_55 = vector.broadcast %broadcast_in_dim3A : vector<256x1xf32> to vector<256x256xf32>
    %add3A_56 = vector.broadcast %get3A_54 : vector<1x256xf32> to vector<256x256xf32>
    %add3A_57 = arith.addf %add3A_55, %add3A_56 : vector<256x256xf32>
    %sub3A_58 = arith.subf %add3A_57, %dot_general3A_51 : vector<256x256xf32>
    %lt3A_59 = arith.cmpf olt, %sub3A_58, %min3A_46 : vector<256x256xf32>
    %jit3A_60 = arith.constant 3.000000e+00 : f32
    %broadcast_in_dim3A_61 = vector.broadcast %jit3A_60 : f32 to vector<256x256xf32>
    %select_n3A_62 = arith.select %lt3A_59, %broadcast_in_dim3A_61, %select_n3A_45 : vector<256x256xi1>, vector<256x256xf32>
    %min3A_63 = arith.minimumf %min3A_46, %sub3A_58 : vector<256x256xf32>
    %get3A_64 = arith.constant 0 : index
    %get3A_65 = arith.constant 1024 : index
    %get3A_66 = vector.load %arg6[%get3A_64, %get3A_65] : memref<256x8192xf32, #tpu.memory_space<vmem>>, vector<256x256xf32>
    %dot_general3A_67 = arith.constant dense<0.000000e+00> : vector<256x256xf32>
    %dot_general3A_68 = tpu.matmul %add3A, %get3A_66, %dot_general3A_67 {dimension_numbers = #tpu.dot_dimension_numbers<[1], [0], [0], [1], [0, 0, 1, 1], [], []>, transpose_lhs_hint = false} : vector<256x256xf32>, vector<256x256xf32>, vector<256x256xf32> -> vector<256x256xf32>
    %get3A_69 = arith.constant 0 : index
    %get3A_70 = arith.constant 1024 : index
    %get3A_71 = vector.load %arg7[%get3A_69, %get3A_70] : memref<1x8192xf32, #tpu.memory_space<vmem>>, vector<1x256xf32>
    %add3A_72 = vector.broadcast %broadcast_in_dim3A : vector<256x1xf32> to vector<256x256xf32>
    %add3A_73 = vector.broadcast %get3A_71 : vector<1x256xf32> to vector<256x256xf32>
    %add3A_74 = arith.addf %add3A_72, %add3A_73 : vector<256x256xf32>
    %sub3A_75 = arith.subf %add3A_74, %dot_general3A_68 : vector<256x256xf32>
    %lt3A_76 = arith.cmpf olt, %sub3A_75, %min3A_63 : vector<256x256xf32>
    %jit3A_77 = arith.constant 4.000000e+00 : f32
    %broadcast_in_dim3A_78 = vector.broadcast %jit3A_77 : f32 to vector<256x256xf32>
    %select_n3A_79 = arith.select %lt3A_76, %broadcast_in_dim3A_78, %select_n3A_62 : vector<256x256xi1>, vector<256x256xf32>
    %min3A_80 = arith.minimumf %min3A_63, %sub3A_75 : vector<256x256xf32>
    %get3A_81 = arith.constant 0 : index
    %get3A_82 = arith.constant 1280 : index
    %get3A_83 = vector.load %arg6[%get3A_81, %get3A_82] : memref<256x8192xf32, #tpu.memory_space<vmem>>, vector<256x256xf32>
    %dot_general3A_84 = arith.constant dense<0.000000e+00> : vector<256x256xf32>
    %dot_general3A_85 = tpu.matmul %add3A, %get3A_83, %dot_general3A_84 {dimension_numbers = #tpu.dot_dimension_numbers<[1], [0], [0], [1], [0, 0, 1, 1], [], []>, transpose_lhs_hint = false} : vector<256x256xf32>, vector<256x256xf32>, vector<256x256xf32> -> vector<256x256xf32>
    %get3A_86 = arith.constant 0 : index
    %get3A_87 = arith.constant 1280 : index
    %get3A_88 = vector.load %arg7[%get3A_86, %get3A_87] : memref<1x8192xf32, #tpu.memory_space<vmem>>, vector<1x256xf32>
    %add3A_89 = vector.broadcast %broadcast_in_dim3A : vector<256x1xf32> to vector<256x256xf32>
    %add3A_90 = vector.broadcast %get3A_88 : vector<1x256xf32> to vector<256x256xf32>
    %add3A_91 = arith.addf %add3A_89, %add3A_90 : vector<256x256xf32>
    %sub3A_92 = arith.subf %add3A_91, %dot_general3A_85 : vector<256x256xf32>
    %lt3A_93 = arith.cmpf olt, %sub3A_92, %min3A_80 : vector<256x256xf32>
    %jit3A_94 = arith.constant 5.000000e+00 : f32
    %broadcast_in_dim3A_95 = vector.broadcast %jit3A_94 : f32 to vector<256x256xf32>
    %select_n3A_96 = arith.select %lt3A_93, %broadcast_in_dim3A_95, %select_n3A_79 : vector<256x256xi1>, vector<256x256xf32>
    %min3A_97 = arith.minimumf %min3A_80, %sub3A_92 : vector<256x256xf32>
    %get3A_98 = arith.constant 0 : index
    %get3A_99 = arith.constant 1536 : index
    %get3A_100 = vector.load %arg6[%get3A_98, %get3A_99] : memref<256x8192xf32, #tpu.memory_space<vmem>>, vector<256x256xf32>
    %dot_general3A_101 = arith.constant dense<0.000000e+00> : vector<256x256xf32>
    %dot_general3A_102 = tpu.matmul %add3A, %get3A_100, %dot_general3A_101 {dimension_numbers = #tpu.dot_dimension_numbers<[1], [0], [0], [1], [0, 0, 1, 1], [], []>, transpose_lhs_hint = false} : vector<256x256xf32>, vector<256x256xf32>, vector<256x256xf32> -> vector<256x256xf32>
    %get3A_103 = arith.constant 0 : index
    %get3A_104 = arith.constant 1536 : index
    %get3A_105 = vector.load %arg7[%get3A_103, %get3A_104] : memref<1x8192xf32, #tpu.memory_space<vmem>>, vector<1x256xf32>
    %add3A_106 = vector.broadcast %broadcast_in_dim3A : vector<256x1xf32> to vector<256x256xf32>
    %add3A_107 = vector.broadcast %get3A_105 : vector<1x256xf32> to vector<256x256xf32>
    %add3A_108 = arith.addf %add3A_106, %add3A_107 : vector<256x256xf32>
    %sub3A_109 = arith.subf %add3A_108, %dot_general3A_102 : vector<256x256xf32>
    %lt3A_110 = arith.cmpf olt, %sub3A_109, %min3A_97 : vector<256x256xf32>
    %jit3A_111 = arith.constant 6.000000e+00 : f32
    %broadcast_in_dim3A_112 = vector.broadcast %jit3A_111 : f32 to vector<256x256xf32>
    %select_n3A_113 = arith.select %lt3A_110, %broadcast_in_dim3A_112, %select_n3A_96 : vector<256x256xi1>, vector<256x256xf32>
    %min3A_114 = arith.minimumf %min3A_97, %sub3A_109 : vector<256x256xf32>
    %get3A_115 = arith.constant 0 : index
    %get3A_116 = arith.constant 1792 : index
    %get3A_117 = vector.load %arg6[%get3A_115, %get3A_116] : memref<256x8192xf32, #tpu.memory_space<vmem>>, vector<256x256xf32>
    %dot_general3A_118 = arith.constant dense<0.000000e+00> : vector<256x256xf32>
    %dot_general3A_119 = tpu.matmul %add3A, %get3A_117, %dot_general3A_118 {dimension_numbers = #tpu.dot_dimension_numbers<[1], [0], [0], [1], [0, 0, 1, 1], [], []>, transpose_lhs_hint = false} : vector<256x256xf32>, vector<256x256xf32>, vector<256x256xf32> -> vector<256x256xf32>
    %get3A_120 = arith.constant 0 : index
    %get3A_121 = arith.constant 1792 : index
    %get3A_122 = vector.load %arg7[%get3A_120, %get3A_121] : memref<1x8192xf32, #tpu.memory_space<vmem>>, vector<1x256xf32>
    %add3A_123 = vector.broadcast %broadcast_in_dim3A : vector<256x1xf32> to vector<256x256xf32>
    %add3A_124 = vector.broadcast %get3A_122 : vector<1x256xf32> to vector<256x256xf32>
    %add3A_125 = arith.addf %add3A_123, %add3A_124 : vector<256x256xf32>
    %sub3A_126 = arith.subf %add3A_125, %dot_general3A_119 : vector<256x256xf32>
    %lt3A_127 = arith.cmpf olt, %sub3A_126, %min3A_114 : vector<256x256xf32>
    %jit3A_128 = arith.constant 7.000000e+00 : f32
    %broadcast_in_dim3A_129 = vector.broadcast %jit3A_128 : f32 to vector<256x256xf32>
    %select_n3A_130 = arith.select %lt3A_127, %broadcast_in_dim3A_129, %select_n3A_113 : vector<256x256xi1>, vector<256x256xf32>
    %min3A_131 = arith.minimumf %min3A_114, %sub3A_126 : vector<256x256xf32>
    %get3A_132 = arith.constant 0 : index
    %get3A_133 = arith.constant 2048 : index
    %get3A_134 = vector.load %arg6[%get3A_132, %get3A_133] : memref<256x8192xf32, #tpu.memory_space<vmem>>, vector<256x256xf32>
    %dot_general3A_135 = arith.constant dense<0.000000e+00> : vector<256x256xf32>
    %dot_general3A_136 = tpu.matmul %add3A, %get3A_134, %dot_general3A_135 {dimension_numbers = #tpu.dot_dimension_numbers<[1], [0], [0], [1], [0, 0, 1, 1], [], []>, transpose_lhs_hint = false} : vector<256x256xf32>, vector<256x256xf32>, vector<256x256xf32> -> vector<256x256xf32>
    %get3A_137 = arith.constant 0 : index
    %get3A_138 = arith.constant 2048 : index
    %get3A_139 = vector.load %arg7[%get3A_137, %get3A_138] : memref<1x8192xf32, #tpu.memory_space<vmem>>, vector<1x256xf32>
    %add3A_140 = vector.broadcast %broadcast_in_dim3A : vector<256x1xf32> to vector<256x256xf32>
    %add3A_141 = vector.broadcast %get3A_139 : vector<1x256xf32> to vector<256x256xf32>
    %add3A_142 = arith.addf %add3A_140, %add3A_141 : vector<256x256xf32>
    %sub3A_143 = arith.subf %add3A_142, %dot_general3A_136 : vector<256x256xf32>
    %lt3A_144 = arith.cmpf olt, %sub3A_143, %min3A_131 : vector<256x256xf32>
    %jit3A_145 = arith.constant 8.000000e+00 : f32
    %broadcast_in_dim3A_146 = vector.broadcast %jit3A_145 : f32 to vector<256x256xf32>
    %select_n3A_147 = arith.select %lt3A_144, %broadcast_in_dim3A_146, %select_n3A_130 : vector<256x256xi1>, vector<256x256xf32>
    %min3A_148 = arith.minimumf %min3A_131, %sub3A_143 : vector<256x256xf32>
    %get3A_149 = arith.constant 0 : index
    %get3A_150 = arith.constant 2304 : index
    %get3A_151 = vector.load %arg6[%get3A_149, %get3A_150] : memref<256x8192xf32, #tpu.memory_space<vmem>>, vector<256x256xf32>
    %dot_general3A_152 = arith.constant dense<0.000000e+00> : vector<256x256xf32>
    %dot_general3A_153 = tpu.matmul %add3A, %get3A_151, %dot_general3A_152 {dimension_numbers = #tpu.dot_dimension_numbers<[1], [0], [0], [1], [0, 0, 1, 1], [], []>, transpose_lhs_hint = false} : vector<256x256xf32>, vector<256x256xf32>, vector<256x256xf32> -> vector<256x256xf32>
    %get3A_154 = arith.constant 0 : index
    %get3A_155 = arith.constant 2304 : index
    %get3A_156 = vector.load %arg7[%get3A_154, %get3A_155] : memref<1x8192xf32, #tpu.memory_space<vmem>>, vector<1x256xf32>
    %add3A_157 = vector.broadcast %broadcast_in_dim3A : vector<256x1xf32> to vector<256x256xf32>
    %add3A_158 = vector.broadcast %get3A_156 : vector<1x256xf32> to vector<256x256xf32>
    %add3A_159 = arith.addf %add3A_157, %add3A_158 : vector<256x256xf32>
    %sub3A_160 = arith.subf %add3A_159, %dot_general3A_153 : vector<256x256xf32>
    %lt3A_161 = arith.cmpf olt, %sub3A_160, %min3A_148 : vector<256x256xf32>
    %jit3A_162 = arith.constant 9.000000e+00 : f32
    %broadcast_in_dim3A_163 = vector.broadcast %jit3A_162 : f32 to vector<256x256xf32>
    %select_n3A_164 = arith.select %lt3A_161, %broadcast_in_dim3A_163, %select_n3A_147 : vector<256x256xi1>, vector<256x256xf32>
    %min3A_165 = arith.minimumf %min3A_148, %sub3A_160 : vector<256x256xf32>
    %get3A_166 = arith.constant 0 : index
    %get3A_167 = arith.constant 2560 : index
    %get3A_168 = vector.load %arg6[%get3A_166, %get3A_167] : memref<256x8192xf32, #tpu.memory_space<vmem>>, vector<256x256xf32>
    %dot_general3A_169 = arith.constant dense<0.000000e+00> : vector<256x256xf32>
    %dot_general3A_170 = tpu.matmul %add3A, %get3A_168, %dot_general3A_169 {dimension_numbers = #tpu.dot_dimension_numbers<[1], [0], [0], [1], [0, 0, 1, 1], [], []>, transpose_lhs_hint = false} : vector<256x256xf32>, vector<256x256xf32>, vector<256x256xf32> -> vector<256x256xf32>
    %get3A_171 = arith.constant 0 : index
    %get3A_172 = arith.constant 2560 : index
    %get3A_173 = vector.load %arg7[%get3A_171, %get3A_172] : memref<1x8192xf32, #tpu.memory_space<vmem>>, vector<1x256xf32>
    %add3A_174 = vector.broadcast %broadcast_in_dim3A : vector<256x1xf32> to vector<256x256xf32>
    %add3A_175 = vector.broadcast %get3A_173 : vector<1x256xf32> to vector<256x256xf32>
    %add3A_176 = arith.addf %add3A_174, %add3A_175 : vector<256x256xf32>
    %sub3A_177 = arith.subf %add3A_176, %dot_general3A_170 : vector<256x256xf32>
    %lt3A_178 = arith.cmpf olt, %sub3A_177, %min3A_165 : vector<256x256xf32>
    %jit3A_179 = arith.constant 1.000000e+01 : f32
    %broadcast_in_dim3A_180 = vector.broadcast %jit3A_179 : f32 to vector<256x256xf32>
    %select_n3A_181 = arith.select %lt3A_178, %broadcast_in_dim3A_180, %select_n3A_164 : vector<256x256xi1>, vector<256x256xf32>
    %min3A_182 = arith.minimumf %min3A_165, %sub3A_177 : vector<256x256xf32>
    %get3A_183 = arith.constant 0 : index
    %get3A_184 = arith.constant 2816 : index
    %get3A_185 = vector.load %arg6[%get3A_183, %get3A_184] : memref<256x8192xf32, #tpu.memory_space<vmem>>, vector<256x256xf32>
    %dot_general3A_186 = arith.constant dense<0.000000e+00> : vector<256x256xf32>
    %dot_general3A_187 = tpu.matmul %add3A, %get3A_185, %dot_general3A_186 {dimension_numbers = #tpu.dot_dimension_numbers<[1], [0], [0], [1], [0, 0, 1, 1], [], []>, transpose_lhs_hint = false} : vector<256x256xf32>, vector<256x256xf32>, vector<256x256xf32> -> vector<256x256xf32>
    %get3A_188 = arith.constant 0 : index
    %get3A_189 = arith.constant 2816 : index
    %get3A_190 = vector.load %arg7[%get3A_188, %get3A_189] : memref<1x8192xf32, #tpu.memory_space<vmem>>, vector<1x256xf32>
    %add3A_191 = vector.broadcast %broadcast_in_dim3A : vector<256x1xf32> to vector<256x256xf32>
    %add3A_192 = vector.broadcast %get3A_190 : vector<1x256xf32> to vector<256x256xf32>
    %add3A_193 = arith.addf %add3A_191, %add3A_192 : vector<256x256xf32>
    %sub3A_194 = arith.subf %add3A_193, %dot_general3A_187 : vector<256x256xf32>
    %lt3A_195 = arith.cmpf olt, %sub3A_194, %min3A_182 : vector<256x256xf32>
    %jit3A_196 = arith.constant 1.100000e+01 : f32
    %broadcast_in_dim3A_197 = vector.broadcast %jit3A_196 : f32 to vector<256x256xf32>
    %select_n3A_198 = arith.select %lt3A_195, %broadcast_in_dim3A_197, %select_n3A_181 : vector<256x256xi1>, vector<256x256xf32>
    %min3A_199 = arith.minimumf %min3A_182, %sub3A_194 : vector<256x256xf32>
    %get3A_200 = arith.constant 0 : index
    %get3A_201 = arith.constant 3072 : index
    %get3A_202 = vector.load %arg6[%get3A_200, %get3A_201] : memref<256x8192xf32, #tpu.memory_space<vmem>>, vector<256x256xf32>
    %dot_general3A_203 = arith.constant dense<0.000000e+00> : vector<256x256xf32>
    %dot_general3A_204 = tpu.matmul %add3A, %get3A_202, %dot_general3A_203 {dimension_numbers = #tpu.dot_dimension_numbers<[1], [0], [0], [1], [0, 0, 1, 1], [], []>, transpose_lhs_hint = false} : vector<256x256xf32>, vector<256x256xf32>, vector<256x256xf32> -> vector<256x256xf32>
    %get3A_205 = arith.constant 0 : index
    %get3A_206 = arith.constant 3072 : index
    %get3A_207 = vector.load %arg7[%get3A_205, %get3A_206] : memref<1x8192xf32, #tpu.memory_space<vmem>>, vector<1x256xf32>
    %add3A_208 = vector.broadcast %broadcast_in_dim3A : vector<256x1xf32> to vector<256x256xf32>
    %add3A_209 = vector.broadcast %get3A_207 : vector<1x256xf32> to vector<256x256xf32>
    %add3A_210 = arith.addf %add3A_208, %add3A_209 : vector<256x256xf32>
    %sub3A_211 = arith.subf %add3A_210, %dot_general3A_204 : vector<256x256xf32>
    %lt3A_212 = arith.cmpf olt, %sub3A_211, %min3A_199 : vector<256x256xf32>
    %jit3A_213 = arith.constant 1.200000e+01 : f32
    %broadcast_in_dim3A_214 = vector.broadcast %jit3A_213 : f32 to vector<256x256xf32>
    %select_n3A_215 = arith.select %lt3A_212, %broadcast_in_dim3A_214, %select_n3A_198 : vector<256x256xi1>, vector<256x256xf32>
    %min3A_216 = arith.minimumf %min3A_199, %sub3A_211 : vector<256x256xf32>
    %get3A_217 = arith.constant 0 : index
    %get3A_218 = arith.constant 3328 : index
    %get3A_219 = vector.load %arg6[%get3A_217, %get3A_218] : memref<256x8192xf32, #tpu.memory_space<vmem>>, vector<256x256xf32>
    %dot_general3A_220 = arith.constant dense<0.000000e+00> : vector<256x256xf32>
    %dot_general3A_221 = tpu.matmul %add3A, %get3A_219, %dot_general3A_220 {dimension_numbers = #tpu.dot_dimension_numbers<[1], [0], [0], [1], [0, 0, 1, 1], [], []>, transpose_lhs_hint = false} : vector<256x256xf32>, vector<256x256xf32>, vector<256x256xf32> -> vector<256x256xf32>
    %get3A_222 = arith.constant 0 : index
    %get3A_223 = arith.constant 3328 : index
    %get3A_224 = vector.load %arg7[%get3A_222, %get3A_223] : memref<1x8192xf32, #tpu.memory_space<vmem>>, vector<1x256xf32>
    %add3A_225 = vector.broadcast %broadcast_in_dim3A : vector<256x1xf32> to vector<256x256xf32>
    %add3A_226 = vector.broadcast %get3A_224 : vector<1x256xf32> to vector<256x256xf32>
    %add3A_227 = arith.addf %add3A_225, %add3A_226 : vector<256x256xf32>
    %sub3A_228 = arith.subf %add3A_227, %dot_general3A_221 : vector<256x256xf32>
    %lt3A_229 = arith.cmpf olt, %sub3A_228, %min3A_216 : vector<256x256xf32>
    %jit3A_230 = arith.constant 1.300000e+01 : f32
    %broadcast_in_dim3A_231 = vector.broadcast %jit3A_230 : f32 to vector<256x256xf32>
    %select_n3A_232 = arith.select %lt3A_229, %broadcast_in_dim3A_231, %select_n3A_215 : vector<256x256xi1>, vector<256x256xf32>
    %min3A_233 = arith.minimumf %min3A_216, %sub3A_228 : vector<256x256xf32>
    %get3A_234 = arith.constant 0 : index
    %get3A_235 = arith.constant 3584 : index
    %get3A_236 = vector.load %arg6[%get3A_234, %get3A_235] : memref<256x8192xf32, #tpu.memory_space<vmem>>, vector<256x256xf32>
    %dot_general3A_237 = arith.constant dense<0.000000e+00> : vector<256x256xf32>
    %dot_general3A_238 = tpu.matmul %add3A, %get3A_236, %dot_general3A_237 {dimension_numbers = #tpu.dot_dimension_numbers<[1], [0], [0], [1], [0, 0, 1, 1], [], []>, transpose_lhs_hint = false} : vector<256x256xf32>, vector<256x256xf32>, vector<256x256xf32> -> vector<256x256xf32>
    %get3A_239 = arith.constant 0 : index
    %get3A_240 = arith.constant 3584 : index
    %get3A_241 = vector.load %arg7[%get3A_239, %get3A_240] : memref<1x8192xf32, #tpu.memory_space<vmem>>, vector<1x256xf32>
    %add3A_242 = vector.broadcast %broadcast_in_dim3A : vector<256x1xf32> to vector<256x256xf32>
    %add3A_243 = vector.broadcast %get3A_241 : vector<1x256xf32> to vector<256x256xf32>
    %add3A_244 = arith.addf %add3A_242, %add3A_243 : vector<256x256xf32>
    %sub3A_245 = arith.subf %add3A_244, %dot_general3A_238 : vector<256x256xf32>
    %lt3A_246 = arith.cmpf olt, %sub3A_245, %min3A_233 : vector<256x256xf32>
    %jit3A_247 = arith.constant 1.400000e+01 : f32
    %broadcast_in_dim3A_248 = vector.broadcast %jit3A_247 : f32 to vector<256x256xf32>
    %select_n3A_249 = arith.select %lt3A_246, %broadcast_in_dim3A_248, %select_n3A_232 : vector<256x256xi1>, vector<256x256xf32>
    %min3A_250 = arith.minimumf %min3A_233, %sub3A_245 : vector<256x256xf32>
    %get3A_251 = arith.constant 0 : index
    %get3A_252 = arith.constant 3840 : index
    %get3A_253 = vector.load %arg6[%get3A_251, %get3A_252] : memref<256x8192xf32, #tpu.memory_space<vmem>>, vector<256x256xf32>
    %dot_general3A_254 = arith.constant dense<0.000000e+00> : vector<256x256xf32>
    %dot_general3A_255 = tpu.matmul %add3A, %get3A_253, %dot_general3A_254 {dimension_numbers = #tpu.dot_dimension_numbers<[1], [0], [0], [1], [0, 0, 1, 1], [], []>, transpose_lhs_hint = false} : vector<256x256xf32>, vector<256x256xf32>, vector<256x256xf32> -> vector<256x256xf32>
    %get3A_256 = arith.constant 0 : index
    %get3A_257 = arith.constant 3840 : index
    %get3A_258 = vector.load %arg7[%get3A_256, %get3A_257] : memref<1x8192xf32, #tpu.memory_space<vmem>>, vector<1x256xf32>
    %add3A_259 = vector.broadcast %broadcast_in_dim3A : vector<256x1xf32> to vector<256x256xf32>
    %add3A_260 = vector.broadcast %get3A_258 : vector<1x256xf32> to vector<256x256xf32>
    %add3A_261 = arith.addf %add3A_259, %add3A_260 : vector<256x256xf32>
    %sub3A_262 = arith.subf %add3A_261, %dot_general3A_255 : vector<256x256xf32>
    %lt3A_263 = arith.cmpf olt, %sub3A_262, %min3A_250 : vector<256x256xf32>
    %jit3A_264 = arith.constant 1.500000e+01 : f32
    %broadcast_in_dim3A_265 = vector.broadcast %jit3A_264 : f32 to vector<256x256xf32>
    %select_n3A_266 = arith.select %lt3A_263, %broadcast_in_dim3A_265, %select_n3A_249 : vector<256x256xi1>, vector<256x256xf32>
    %min3A_267 = arith.minimumf %min3A_250, %sub3A_262 : vector<256x256xf32>
    %get3A_268 = arith.constant 0 : index
    %get3A_269 = arith.constant 4096 : index
    %get3A_270 = vector.load %arg6[%get3A_268, %get3A_269] : memref<256x8192xf32, #tpu.memory_space<vmem>>, vector<256x256xf32>
    %dot_general3A_271 = arith.constant dense<0.000000e+00> : vector<256x256xf32>
    %dot_general3A_272 = tpu.matmul %add3A, %get3A_270, %dot_general3A_271 {dimension_numbers = #tpu.dot_dimension_numbers<[1], [0], [0], [1], [0, 0, 1, 1], [], []>, transpose_lhs_hint = false} : vector<256x256xf32>, vector<256x256xf32>, vector<256x256xf32> -> vector<256x256xf32>
    %get3A_273 = arith.constant 0 : index
    %get3A_274 = arith.constant 4096 : index
    %get3A_275 = vector.load %arg7[%get3A_273, %get3A_274] : memref<1x8192xf32, #tpu.memory_space<vmem>>, vector<1x256xf32>
    %add3A_276 = vector.broadcast %broadcast_in_dim3A : vector<256x1xf32> to vector<256x256xf32>
    %add3A_277 = vector.broadcast %get3A_275 : vector<1x256xf32> to vector<256x256xf32>
    %add3A_278 = arith.addf %add3A_276, %add3A_277 : vector<256x256xf32>
    %sub3A_279 = arith.subf %add3A_278, %dot_general3A_272 : vector<256x256xf32>
    %lt3A_280 = arith.cmpf olt, %sub3A_279, %min3A_267 : vector<256x256xf32>
    %jit3A_281 = arith.constant 1.600000e+01 : f32
    %broadcast_in_dim3A_282 = vector.broadcast %jit3A_281 : f32 to vector<256x256xf32>
    %select_n3A_283 = arith.select %lt3A_280, %broadcast_in_dim3A_282, %select_n3A_266 : vector<256x256xi1>, vector<256x256xf32>
    %min3A_284 = arith.minimumf %min3A_267, %sub3A_279 : vector<256x256xf32>
    %get3A_285 = arith.constant 0 : index
    %get3A_286 = arith.constant 4352 : index
    %get3A_287 = vector.load %arg6[%get3A_285, %get3A_286] : memref<256x8192xf32, #tpu.memory_space<vmem>>, vector<256x256xf32>
    %dot_general3A_288 = arith.constant dense<0.000000e+00> : vector<256x256xf32>
    %dot_general3A_289 = tpu.matmul %add3A, %get3A_287, %dot_general3A_288 {dimension_numbers = #tpu.dot_dimension_numbers<[1], [0], [0], [1], [0, 0, 1, 1], [], []>, transpose_lhs_hint = false} : vector<256x256xf32>, vector<256x256xf32>, vector<256x256xf32> -> vector<256x256xf32>
    %get3A_290 = arith.constant 0 : index
    %get3A_291 = arith.constant 4352 : index
    %get3A_292 = vector.load %arg7[%get3A_290, %get3A_291] : memref<1x8192xf32, #tpu.memory_space<vmem>>, vector<1x256xf32>
    %add3A_293 = vector.broadcast %broadcast_in_dim3A : vector<256x1xf32> to vector<256x256xf32>
    %add3A_294 = vector.broadcast %get3A_292 : vector<1x256xf32> to vector<256x256xf32>
    %add3A_295 = arith.addf %add3A_293, %add3A_294 : vector<256x256xf32>
    %sub3A_296 = arith.subf %add3A_295, %dot_general3A_289 : vector<256x256xf32>
    %lt3A_297 = arith.cmpf olt, %sub3A_296, %min3A_284 : vector<256x256xf32>
    %jit3A_298 = arith.constant 1.700000e+01 : f32
    %broadcast_in_dim3A_299 = vector.broadcast %jit3A_298 : f32 to vector<256x256xf32>
    %select_n3A_300 = arith.select %lt3A_297, %broadcast_in_dim3A_299, %select_n3A_283 : vector<256x256xi1>, vector<256x256xf32>
    %min3A_301 = arith.minimumf %min3A_284, %sub3A_296 : vector<256x256xf32>
    %get3A_302 = arith.constant 0 : index
    %get3A_303 = arith.constant 4608 : index
    %get3A_304 = vector.load %arg6[%get3A_302, %get3A_303] : memref<256x8192xf32, #tpu.memory_space<vmem>>, vector<256x256xf32>
    %dot_general3A_305 = arith.constant dense<0.000000e+00> : vector<256x256xf32>
    %dot_general3A_306 = tpu.matmul %add3A, %get3A_304, %dot_general3A_305 {dimension_numbers = #tpu.dot_dimension_numbers<[1], [0], [0], [1], [0, 0, 1, 1], [], []>, transpose_lhs_hint = false} : vector<256x256xf32>, vector<256x256xf32>, vector<256x256xf32> -> vector<256x256xf32>
    %get3A_307 = arith.constant 0 : index
    %get3A_308 = arith.constant 4608 : index
    %get3A_309 = vector.load %arg7[%get3A_307, %get3A_308] : memref<1x8192xf32, #tpu.memory_space<vmem>>, vector<1x256xf32>
    %add3A_310 = vector.broadcast %broadcast_in_dim3A : vector<256x1xf32> to vector<256x256xf32>
    %add3A_311 = vector.broadcast %get3A_309 : vector<1x256xf32> to vector<256x256xf32>
    %add3A_312 = arith.addf %add3A_310, %add3A_311 : vector<256x256xf32>
    %sub3A_313 = arith.subf %add3A_312, %dot_general3A_306 : vector<256x256xf32>
    %lt3A_314 = arith.cmpf olt, %sub3A_313, %min3A_301 : vector<256x256xf32>
    %jit3A_315 = arith.constant 1.800000e+01 : f32
    %broadcast_in_dim3A_316 = vector.broadcast %jit3A_315 : f32 to vector<256x256xf32>
    %select_n3A_317 = arith.select %lt3A_314, %broadcast_in_dim3A_316, %select_n3A_300 : vector<256x256xi1>, vector<256x256xf32>
    %min3A_318 = arith.minimumf %min3A_301, %sub3A_313 : vector<256x256xf32>
    %get3A_319 = arith.constant 0 : index
    %get3A_320 = arith.constant 4864 : index
    %get3A_321 = vector.load %arg6[%get3A_319, %get3A_320] : memref<256x8192xf32, #tpu.memory_space<vmem>>, vector<256x256xf32>
    %dot_general3A_322 = arith.constant dense<0.000000e+00> : vector<256x256xf32>
    %dot_general3A_323 = tpu.matmul %add3A, %get3A_321, %dot_general3A_322 {dimension_numbers = #tpu.dot_dimension_numbers<[1], [0], [0], [1], [0, 0, 1, 1], [], []>, transpose_lhs_hint = false} : vector<256x256xf32>, vector<256x256xf32>, vector<256x256xf32> -> vector<256x256xf32>
    %get3A_324 = arith.constant 0 : index
    %get3A_325 = arith.constant 4864 : index
    %get3A_326 = vector.load %arg7[%get3A_324, %get3A_325] : memref<1x8192xf32, #tpu.memory_space<vmem>>, vector<1x256xf32>
    %add3A_327 = vector.broadcast %broadcast_in_dim3A : vector<256x1xf32> to vector<256x256xf32>
    %add3A_328 = vector.broadcast %get3A_326 : vector<1x256xf32> to vector<256x256xf32>
    %add3A_329 = arith.addf %add3A_327, %add3A_328 : vector<256x256xf32>
    %sub3A_330 = arith.subf %add3A_329, %dot_general3A_323 : vector<256x256xf32>
    %lt3A_331 = arith.cmpf olt, %sub3A_330, %min3A_318 : vector<256x256xf32>
    %jit3A_332 = arith.constant 1.900000e+01 : f32
    %broadcast_in_dim3A_333 = vector.broadcast %jit3A_332 : f32 to vector<256x256xf32>
    %select_n3A_334 = arith.select %lt3A_331, %broadcast_in_dim3A_333, %select_n3A_317 : vector<256x256xi1>, vector<256x256xf32>
    %min3A_335 = arith.minimumf %min3A_318, %sub3A_330 : vector<256x256xf32>
    %get3A_336 = arith.constant 0 : index
    %get3A_337 = arith.constant 5120 : index
    %get3A_338 = vector.load %arg6[%get3A_336, %get3A_337] : memref<256x8192xf32, #tpu.memory_space<vmem>>, vector<256x256xf32>
    %dot_general3A_339 = arith.constant dense<0.000000e+00> : vector<256x256xf32>
    %dot_general3A_340 = tpu.matmul %add3A, %get3A_338, %dot_general3A_339 {dimension_numbers = #tpu.dot_dimension_numbers<[1], [0], [0], [1], [0, 0, 1, 1], [], []>, transpose_lhs_hint = false} : vector<256x256xf32>, vector<256x256xf32>, vector<256x256xf32> -> vector<256x256xf32>
    %get3A_341 = arith.constant 0 : index
    %get3A_342 = arith.constant 5120 : index
    %get3A_343 = vector.load %arg7[%get3A_341, %get3A_342] : memref<1x8192xf32, #tpu.memory_space<vmem>>, vector<1x256xf32>
    %add3A_344 = vector.broadcast %broadcast_in_dim3A : vector<256x1xf32> to vector<256x256xf32>
    %add3A_345 = vector.broadcast %get3A_343 : vector<1x256xf32> to vector<256x256xf32>
    %add3A_346 = arith.addf %add3A_344, %add3A_345 : vector<256x256xf32>
    %sub3A_347 = arith.subf %add3A_346, %dot_general3A_340 : vector<256x256xf32>
    %lt3A_348 = arith.cmpf olt, %sub3A_347, %min3A_335 : vector<256x256xf32>
    %jit3A_349 = arith.constant 2.000000e+01 : f32
    %broadcast_in_dim3A_350 = vector.broadcast %jit3A_349 : f32 to vector<256x256xf32>
    %select_n3A_351 = arith.select %lt3A_348, %broadcast_in_dim3A_350, %select_n3A_334 : vector<256x256xi1>, vector<256x256xf32>
    %min3A_352 = arith.minimumf %min3A_335, %sub3A_347 : vector<256x256xf32>
    %get3A_353 = arith.constant 0 : index
    %get3A_354 = arith.constant 5376 : index
    %get3A_355 = vector.load %arg6[%get3A_353, %get3A_354] : memref<256x8192xf32, #tpu.memory_space<vmem>>, vector<256x256xf32>
    %dot_general3A_356 = arith.constant dense<0.000000e+00> : vector<256x256xf32>
    %dot_general3A_357 = tpu.matmul %add3A, %get3A_355, %dot_general3A_356 {dimension_numbers = #tpu.dot_dimension_numbers<[1], [0], [0], [1], [0, 0, 1, 1], [], []>, transpose_lhs_hint = false} : vector<256x256xf32>, vector<256x256xf32>, vector<256x256xf32> -> vector<256x256xf32>
    %get3A_358 = arith.constant 0 : index
    %get3A_359 = arith.constant 5376 : index
    %get3A_360 = vector.load %arg7[%get3A_358, %get3A_359] : memref<1x8192xf32, #tpu.memory_space<vmem>>, vector<1x256xf32>
    %add3A_361 = vector.broadcast %broadcast_in_dim3A : vector<256x1xf32> to vector<256x256xf32>
    %add3A_362 = vector.broadcast %get3A_360 : vector<1x256xf32> to vector<256x256xf32>
    %add3A_363 = arith.addf %add3A_361, %add3A_362 : vector<256x256xf32>
    %sub3A_364 = arith.subf %add3A_363, %dot_general3A_357 : vector<256x256xf32>
    %lt3A_365 = arith.cmpf olt, %sub3A_364, %min3A_352 : vector<256x256xf32>
    %jit3A_366 = arith.constant 2.100000e+01 : f32
    %broadcast_in_dim3A_367 = vector.broadcast %jit3A_366 : f32 to vector<256x256xf32>
    %select_n3A_368 = arith.select %lt3A_365, %broadcast_in_dim3A_367, %select_n3A_351 : vector<256x256xi1>, vector<256x256xf32>
    %min3A_369 = arith.minimumf %min3A_352, %sub3A_364 : vector<256x256xf32>
    %get3A_370 = arith.constant 0 : index
    %get3A_371 = arith.constant 5632 : index
    %get3A_372 = vector.load %arg6[%get3A_370, %get3A_371] : memref<256x8192xf32, #tpu.memory_space<vmem>>, vector<256x256xf32>
    %dot_general3A_373 = arith.constant dense<0.000000e+00> : vector<256x256xf32>
    %dot_general3A_374 = tpu.matmul %add3A, %get3A_372, %dot_general3A_373 {dimension_numbers = #tpu.dot_dimension_numbers<[1], [0], [0], [1], [0, 0, 1, 1], [], []>, transpose_lhs_hint = false} : vector<256x256xf32>, vector<256x256xf32>, vector<256x256xf32> -> vector<256x256xf32>
    %get3A_375 = arith.constant 0 : index
    %get3A_376 = arith.constant 5632 : index
    %get3A_377 = vector.load %arg7[%get3A_375, %get3A_376] : memref<1x8192xf32, #tpu.memory_space<vmem>>, vector<1x256xf32>
    %add3A_378 = vector.broadcast %broadcast_in_dim3A : vector<256x1xf32> to vector<256x256xf32>
    %add3A_379 = vector.broadcast %get3A_377 : vector<1x256xf32> to vector<256x256xf32>
    %add3A_380 = arith.addf %add3A_378, %add3A_379 : vector<256x256xf32>
    %sub3A_381 = arith.subf %add3A_380, %dot_general3A_374 : vector<256x256xf32>
    %lt3A_382 = arith.cmpf olt, %sub3A_381, %min3A_369 : vector<256x256xf32>
    %jit3A_383 = arith.constant 2.200000e+01 : f32
    %broadcast_in_dim3A_384 = vector.broadcast %jit3A_383 : f32 to vector<256x256xf32>
    %select_n3A_385 = arith.select %lt3A_382, %broadcast_in_dim3A_384, %select_n3A_368 : vector<256x256xi1>, vector<256x256xf32>
    %min3A_386 = arith.minimumf %min3A_369, %sub3A_381 : vector<256x256xf32>
    %get3A_387 = arith.constant 0 : index
    %get3A_388 = arith.constant 5888 : index
    %get3A_389 = vector.load %arg6[%get3A_387, %get3A_388] : memref<256x8192xf32, #tpu.memory_space<vmem>>, vector<256x256xf32>
    %dot_general3A_390 = arith.constant dense<0.000000e+00> : vector<256x256xf32>
    %dot_general3A_391 = tpu.matmul %add3A, %get3A_389, %dot_general3A_390 {dimension_numbers = #tpu.dot_dimension_numbers<[1], [0], [0], [1], [0, 0, 1, 1], [], []>, transpose_lhs_hint = false} : vector<256x256xf32>, vector<256x256xf32>, vector<256x256xf32> -> vector<256x256xf32>
    %get3A_392 = arith.constant 0 : index
    %get3A_393 = arith.constant 5888 : index
    %get3A_394 = vector.load %arg7[%get3A_392, %get3A_393] : memref<1x8192xf32, #tpu.memory_space<vmem>>, vector<1x256xf32>
    %add3A_395 = vector.broadcast %broadcast_in_dim3A : vector<256x1xf32> to vector<256x256xf32>
    %add3A_396 = vector.broadcast %get3A_394 : vector<1x256xf32> to vector<256x256xf32>
    %add3A_397 = arith.addf %add3A_395, %add3A_396 : vector<256x256xf32>
    %sub3A_398 = arith.subf %add3A_397, %dot_general3A_391 : vector<256x256xf32>
    %lt3A_399 = arith.cmpf olt, %sub3A_398, %min3A_386 : vector<256x256xf32>
    %jit3A_400 = arith.constant 2.300000e+01 : f32
    %broadcast_in_dim3A_401 = vector.broadcast %jit3A_400 : f32 to vector<256x256xf32>
    %select_n3A_402 = arith.select %lt3A_399, %broadcast_in_dim3A_401, %select_n3A_385 : vector<256x256xi1>, vector<256x256xf32>
    %min3A_403 = arith.minimumf %min3A_386, %sub3A_398 : vector<256x256xf32>
    %get3A_404 = arith.constant 0 : index
    %get3A_405 = arith.constant 6144 : index
    %get3A_406 = vector.load %arg6[%get3A_404, %get3A_405] : memref<256x8192xf32, #tpu.memory_space<vmem>>, vector<256x256xf32>
    %dot_general3A_407 = arith.constant dense<0.000000e+00> : vector<256x256xf32>
    %dot_general3A_408 = tpu.matmul %add3A, %get3A_406, %dot_general3A_407 {dimension_numbers = #tpu.dot_dimension_numbers<[1], [0], [0], [1], [0, 0, 1, 1], [], []>, transpose_lhs_hint = false} : vector<256x256xf32>, vector<256x256xf32>, vector<256x256xf32> -> vector<256x256xf32>
    %get3A_409 = arith.constant 0 : index
    %get3A_410 = arith.constant 6144 : index
    %get3A_411 = vector.load %arg7[%get3A_409, %get3A_410] : memref<1x8192xf32, #tpu.memory_space<vmem>>, vector<1x256xf32>
    %add3A_412 = vector.broadcast %broadcast_in_dim3A : vector<256x1xf32> to vector<256x256xf32>
    %add3A_413 = vector.broadcast %get3A_411 : vector<1x256xf32> to vector<256x256xf32>
    %add3A_414 = arith.addf %add3A_412, %add3A_413 : vector<256x256xf32>
    %sub3A_415 = arith.subf %add3A_414, %dot_general3A_408 : vector<256x256xf32>
    %lt3A_416 = arith.cmpf olt, %sub3A_415, %min3A_403 : vector<256x256xf32>
    %jit3A_417 = arith.constant 2.400000e+01 : f32
    %broadcast_in_dim3A_418 = vector.broadcast %jit3A_417 : f32 to vector<256x256xf32>
    %select_n3A_419 = arith.select %lt3A_416, %broadcast_in_dim3A_418, %select_n3A_402 : vector<256x256xi1>, vector<256x256xf32>
    %min3A_420 = arith.minimumf %min3A_403, %sub3A_415 : vector<256x256xf32>
    %get3A_421 = arith.constant 0 : index
    %get3A_422 = arith.constant 6400 : index
    %get3A_423 = vector.load %arg6[%get3A_421, %get3A_422] : memref<256x8192xf32, #tpu.memory_space<vmem>>, vector<256x256xf32>
    %dot_general3A_424 = arith.constant dense<0.000000e+00> : vector<256x256xf32>
    %dot_general3A_425 = tpu.matmul %add3A, %get3A_423, %dot_general3A_424 {dimension_numbers = #tpu.dot_dimension_numbers<[1], [0], [0], [1], [0, 0, 1, 1], [], []>, transpose_lhs_hint = false} : vector<256x256xf32>, vector<256x256xf32>, vector<256x256xf32> -> vector<256x256xf32>
    %get3A_426 = arith.constant 0 : index
    %get3A_427 = arith.constant 6400 : index
    %get3A_428 = vector.load %arg7[%get3A_426, %get3A_427] : memref<1x8192xf32, #tpu.memory_space<vmem>>, vector<1x256xf32>
    %add3A_429 = vector.broadcast %broadcast_in_dim3A : vector<256x1xf32> to vector<256x256xf32>
    %add3A_430 = vector.broadcast %get3A_428 : vector<1x256xf32> to vector<256x256xf32>
    %add3A_431 = arith.addf %add3A_429, %add3A_430 : vector<256x256xf32>
    %sub3A_432 = arith.subf %add3A_431, %dot_general3A_425 : vector<256x256xf32>
    %lt3A_433 = arith.cmpf olt, %sub3A_432, %min3A_420 : vector<256x256xf32>
    %jit3A_434 = arith.constant 2.500000e+01 : f32
    %broadcast_in_dim3A_435 = vector.broadcast %jit3A_434 : f32 to vector<256x256xf32>
    %select_n3A_436 = arith.select %lt3A_433, %broadcast_in_dim3A_435, %select_n3A_419 : vector<256x256xi1>, vector<256x256xf32>
    %min3A_437 = arith.minimumf %min3A_420, %sub3A_432 : vector<256x256xf32>
    %get3A_438 = arith.constant 0 : index
    %get3A_439 = arith.constant 6656 : index
    %get3A_440 = vector.load %arg6[%get3A_438, %get3A_439] : memref<256x8192xf32, #tpu.memory_space<vmem>>, vector<256x256xf32>
    %dot_general3A_441 = arith.constant dense<0.000000e+00> : vector<256x256xf32>
    %dot_general3A_442 = tpu.matmul %add3A, %get3A_440, %dot_general3A_441 {dimension_numbers = #tpu.dot_dimension_numbers<[1], [0], [0], [1], [0, 0, 1, 1], [], []>, transpose_lhs_hint = false} : vector<256x256xf32>, vector<256x256xf32>, vector<256x256xf32> -> vector<256x256xf32>
    %get3A_443 = arith.constant 0 : index
    %get3A_444 = arith.constant 6656 : index
    %get3A_445 = vector.load %arg7[%get3A_443, %get3A_444] : memref<1x8192xf32, #tpu.memory_space<vmem>>, vector<1x256xf32>
    %add3A_446 = vector.broadcast %broadcast_in_dim3A : vector<256x1xf32> to vector<256x256xf32>
    %add3A_447 = vector.broadcast %get3A_445 : vector<1x256xf32> to vector<256x256xf32>
    %add3A_448 = arith.addf %add3A_446, %add3A_447 : vector<256x256xf32>
    %sub3A_449 = arith.subf %add3A_448, %dot_general3A_442 : vector<256x256xf32>
    %lt3A_450 = arith.cmpf olt, %sub3A_449, %min3A_437 : vector<256x256xf32>
    %jit3A_451 = arith.constant 2.600000e+01 : f32
    %broadcast_in_dim3A_452 = vector.broadcast %jit3A_451 : f32 to vector<256x256xf32>
    %select_n3A_453 = arith.select %lt3A_450, %broadcast_in_dim3A_452, %select_n3A_436 : vector<256x256xi1>, vector<256x256xf32>
    %min3A_454 = arith.minimumf %min3A_437, %sub3A_449 : vector<256x256xf32>
    %get3A_455 = arith.constant 0 : index
    %get3A_456 = arith.constant 6912 : index
    %get3A_457 = vector.load %arg6[%get3A_455, %get3A_456] : memref<256x8192xf32, #tpu.memory_space<vmem>>, vector<256x256xf32>
    %dot_general3A_458 = arith.constant dense<0.000000e+00> : vector<256x256xf32>
    %dot_general3A_459 = tpu.matmul %add3A, %get3A_457, %dot_general3A_458 {dimension_numbers = #tpu.dot_dimension_numbers<[1], [0], [0], [1], [0, 0, 1, 1], [], []>, transpose_lhs_hint = false} : vector<256x256xf32>, vector<256x256xf32>, vector<256x256xf32> -> vector<256x256xf32>
    %get3A_460 = arith.constant 0 : index
    %get3A_461 = arith.constant 6912 : index
    %get3A_462 = vector.load %arg7[%get3A_460, %get3A_461] : memref<1x8192xf32, #tpu.memory_space<vmem>>, vector<1x256xf32>
    %add3A_463 = vector.broadcast %broadcast_in_dim3A : vector<256x1xf32> to vector<256x256xf32>
    %add3A_464 = vector.broadcast %get3A_462 : vector<1x256xf32> to vector<256x256xf32>
    %add3A_465 = arith.addf %add3A_463, %add3A_464 : vector<256x256xf32>
    %sub3A_466 = arith.subf %add3A_465, %dot_general3A_459 : vector<256x256xf32>
    %lt3A_467 = arith.cmpf olt, %sub3A_466, %min3A_454 : vector<256x256xf32>
    %jit3A_468 = arith.constant 2.700000e+01 : f32
    %broadcast_in_dim3A_469 = vector.broadcast %jit3A_468 : f32 to vector<256x256xf32>
    %select_n3A_470 = arith.select %lt3A_467, %broadcast_in_dim3A_469, %select_n3A_453 : vector<256x256xi1>, vector<256x256xf32>
    %min3A_471 = arith.minimumf %min3A_454, %sub3A_466 : vector<256x256xf32>
    %get3A_472 = arith.constant 0 : index
    %get3A_473 = arith.constant 7168 : index
    %get3A_474 = vector.load %arg6[%get3A_472, %get3A_473] : memref<256x8192xf32, #tpu.memory_space<vmem>>, vector<256x256xf32>
    %dot_general3A_475 = arith.constant dense<0.000000e+00> : vector<256x256xf32>
    %dot_general3A_476 = tpu.matmul %add3A, %get3A_474, %dot_general3A_475 {dimension_numbers = #tpu.dot_dimension_numbers<[1], [0], [0], [1], [0, 0, 1, 1], [], []>, transpose_lhs_hint = false} : vector<256x256xf32>, vector<256x256xf32>, vector<256x256xf32> -> vector<256x256xf32>
    %get3A_477 = arith.constant 0 : index
    %get3A_478 = arith.constant 7168 : index
    %get3A_479 = vector.load %arg7[%get3A_477, %get3A_478] : memref<1x8192xf32, #tpu.memory_space<vmem>>, vector<1x256xf32>
    %add3A_480 = vector.broadcast %broadcast_in_dim3A : vector<256x1xf32> to vector<256x256xf32>
    %add3A_481 = vector.broadcast %get3A_479 : vector<1x256xf32> to vector<256x256xf32>
    %add3A_482 = arith.addf %add3A_480, %add3A_481 : vector<256x256xf32>
    %sub3A_483 = arith.subf %add3A_482, %dot_general3A_476 : vector<256x256xf32>
    %lt3A_484 = arith.cmpf olt, %sub3A_483, %min3A_471 : vector<256x256xf32>
    %jit3A_485 = arith.constant 2.800000e+01 : f32
    %broadcast_in_dim3A_486 = vector.broadcast %jit3A_485 : f32 to vector<256x256xf32>
    %select_n3A_487 = arith.select %lt3A_484, %broadcast_in_dim3A_486, %select_n3A_470 : vector<256x256xi1>, vector<256x256xf32>
    %min3A_488 = arith.minimumf %min3A_471, %sub3A_483 : vector<256x256xf32>
    %get3A_489 = arith.constant 0 : index
    %get3A_490 = arith.constant 7424 : index
    %get3A_491 = vector.load %arg6[%get3A_489, %get3A_490] : memref<256x8192xf32, #tpu.memory_space<vmem>>, vector<256x256xf32>
    %dot_general3A_492 = arith.constant dense<0.000000e+00> : vector<256x256xf32>
    %dot_general3A_493 = tpu.matmul %add3A, %get3A_491, %dot_general3A_492 {dimension_numbers = #tpu.dot_dimension_numbers<[1], [0], [0], [1], [0, 0, 1, 1], [], []>, transpose_lhs_hint = false} : vector<256x256xf32>, vector<256x256xf32>, vector<256x256xf32> -> vector<256x256xf32>
    %get3A_494 = arith.constant 0 : index
    %get3A_495 = arith.constant 7424 : index
    %get3A_496 = vector.load %arg7[%get3A_494, %get3A_495] : memref<1x8192xf32, #tpu.memory_space<vmem>>, vector<1x256xf32>
    %add3A_497 = vector.broadcast %broadcast_in_dim3A : vector<256x1xf32> to vector<256x256xf32>
    %add3A_498 = vector.broadcast %get3A_496 : vector<1x256xf32> to vector<256x256xf32>
    %add3A_499 = arith.addf %add3A_497, %add3A_498 : vector<256x256xf32>
    %sub3A_500 = arith.subf %add3A_499, %dot_general3A_493 : vector<256x256xf32>
    %lt3A_501 = arith.cmpf olt, %sub3A_500, %min3A_488 : vector<256x256xf32>
    %jit3A_502 = arith.constant 2.900000e+01 : f32
    %broadcast_in_dim3A_503 = vector.broadcast %jit3A_502 : f32 to vector<256x256xf32>
    %select_n3A_504 = arith.select %lt3A_501, %broadcast_in_dim3A_503, %select_n3A_487 : vector<256x256xi1>, vector<256x256xf32>
    %min3A_505 = arith.minimumf %min3A_488, %sub3A_500 : vector<256x256xf32>
    %get3A_506 = arith.constant 0 : index
    %get3A_507 = arith.constant 7680 : index
    %get3A_508 = vector.load %arg6[%get3A_506, %get3A_507] : memref<256x8192xf32, #tpu.memory_space<vmem>>, vector<256x256xf32>
    %dot_general3A_509 = arith.constant dense<0.000000e+00> : vector<256x256xf32>
    %dot_general3A_510 = tpu.matmul %add3A, %get3A_508, %dot_general3A_509 {dimension_numbers = #tpu.dot_dimension_numbers<[1], [0], [0], [1], [0, 0, 1, 1], [], []>, transpose_lhs_hint = false} : vector<256x256xf32>, vector<256x256xf32>, vector<256x256xf32> -> vector<256x256xf32>
    %get3A_511 = arith.constant 0 : index
    %get3A_512 = arith.constant 7680 : index
    %get3A_513 = vector.load %arg7[%get3A_511, %get3A_512] : memref<1x8192xf32, #tpu.memory_space<vmem>>, vector<1x256xf32>
    %add3A_514 = vector.broadcast %broadcast_in_dim3A : vector<256x1xf32> to vector<256x256xf32>
    %add3A_515 = vector.broadcast %get3A_513 : vector<1x256xf32> to vector<256x256xf32>
    %add3A_516 = arith.addf %add3A_514, %add3A_515 : vector<256x256xf32>
    %sub3A_517 = arith.subf %add3A_516, %dot_general3A_510 : vector<256x256xf32>
    %lt3A_518 = arith.cmpf olt, %sub3A_517, %min3A_505 : vector<256x256xf32>
    %jit3A_519 = arith.constant 3.000000e+01 : f32
    %broadcast_in_dim3A_520 = vector.broadcast %jit3A_519 : f32 to vector<256x256xf32>
    %select_n3A_521 = arith.select %lt3A_518, %broadcast_in_dim3A_520, %select_n3A_504 : vector<256x256xi1>, vector<256x256xf32>
    %min3A_522 = arith.minimumf %min3A_505, %sub3A_517 : vector<256x256xf32>
    %get3A_523 = arith.constant 0 : index
    %get3A_524 = arith.constant 7936 : index
    %get3A_525 = vector.load %arg6[%get3A_523, %get3A_524] : memref<256x8192xf32, #tpu.memory_space<vmem>>, vector<256x256xf32>
    %dot_general3A_526 = arith.constant dense<0.000000e+00> : vector<256x256xf32>
    %dot_general3A_527 = tpu.matmul %add3A, %get3A_525, %dot_general3A_526 {dimension_numbers = #tpu.dot_dimension_numbers<[1], [0], [0], [1], [0, 0, 1, 1], [], []>, transpose_lhs_hint = false} : vector<256x256xf32>, vector<256x256xf32>, vector<256x256xf32> -> vector<256x256xf32>
    %get3A_528 = arith.constant 0 : index
    %get3A_529 = arith.constant 7936 : index
    %get3A_530 = vector.load %arg7[%get3A_528, %get3A_529] : memref<1x8192xf32, #tpu.memory_space<vmem>>, vector<1x256xf32>
    %add3A_531 = vector.broadcast %broadcast_in_dim3A : vector<256x1xf32> to vector<256x256xf32>
    %add3A_532 = vector.broadcast %get3A_530 : vector<1x256xf32> to vector<256x256xf32>
    %add3A_533 = arith.addf %add3A_531, %add3A_532 : vector<256x256xf32>
    %sub3A_534 = arith.subf %add3A_533, %dot_general3A_527 : vector<256x256xf32>
    %lt3A_535 = arith.cmpf olt, %sub3A_534, %min3A_522 : vector<256x256xf32>
    %jit3A_536 = arith.constant 3.100000e+01 : f32
    %broadcast_in_dim3A_537 = vector.broadcast %jit3A_536 : f32 to vector<256x256xf32>
    %select_n3A_538 = arith.select %lt3A_535, %broadcast_in_dim3A_537, %select_n3A_521 : vector<256x256xi1>, vector<256x256xf32>
    %min3A_539 = arith.minimumf %min3A_522, %sub3A_534 : vector<256x256xf32>
    %reduce_min3A = arith.constant dense<0x7F800000> : vector<256xf32>
    %reduce_min3A_540 = vector.multi_reduction <minimumf>, %min3A_539, %reduce_min3A [1] : vector<256x256xf32> to vector<256xf32>
    %broadcast_in_dim3A_541 = vector.shape_cast %reduce_min3A_540 : vector<256xf32> to vector<256x1xf32>
    %get3A_542 = arith.constant 0 : index
    %get3A_543 = arith.constant 0 : index
    %get3A_544 = vector.load %arg3[%get3A_542, %get3A_543] : memref<1x256xf32, #tpu.memory_space<vmem>>, vector<1x256xf32>
    %broadcast_in_dim3A_545 = vector.shape_cast %get3A_544 : vector<1x256xf32> to vector<1x256xf32>
    %broadcast_in_dim3A_546 = vector.broadcast %broadcast_in_dim3A_545 : vector<1x256xf32> to vector<256x256xf32>
    %mul3A_547 = arith.constant 2.560000e+02 : f32
    %mul3A_548 = vector.broadcast %mul3A_547 : f32 to vector<256x256xf32>
    %mul3A_549 = arith.mulf %select_n3A_538, %mul3A_548 : vector<256x256xf32>
    %add3A_550 = arith.addf %mul3A_549, %broadcast_in_dim3A_546 : vector<256x256xf32>
    %eq3A_551 = vector.broadcast %broadcast_in_dim3A_541 : vector<256x1xf32> to vector<256x256xf32>
    %eq3A_552 = arith.cmpf oeq, %min3A_539, %eq3A_551 : vector<256x256xf32>
    %jit3A_553 = arith.constant 8.192000e+03 : f32
    %broadcast_in_dim3A_554 = vector.broadcast %jit3A_553 : f32 to vector<256x256xf32>
    %select_n3A_555 = arith.select %eq3A_552, %add3A_550, %broadcast_in_dim3A_554 : vector<256x256xi1>, vector<256x256xf32>
    %reduce_min3A_556 = arith.constant dense<0x7F800000> : vector<256xf32>
    %reduce_min3A_557 = vector.multi_reduction <minimumf>, %select_n3A_555, %reduce_min3A_556 [1] : vector<256x256xf32> to vector<256xf32>
    %broadcast_in_dim3A_558 = vector.shape_cast %reduce_min3A_557 : vector<256xf32> to vector<256x1xf32>
    %convert_element_type3A_559 = arith.fptosi %broadcast_in_dim3A_558 : vector<256x1xf32> to vector<256x1xi32>
    %swap3A = arith.constant 0 : index
    %swap3A_560 = arith.constant 0 : index
    %swap3A_561 = vector.load %arg4[%swap3A, %swap3A_560] : memref<256x1xi32, #tpu.memory_space<vmem>>, vector<256x1xi32>
    tpu.vector_store %arg4[%swap3A, %swap3A_560], %convert_element_type3A_559 {strides = array<i32>} : memref<256x1xi32, #tpu.memory_space<vmem>>, vector<256x1xi32>,
    %reduce_sum3A_562 = vector.shape_cast %broadcast_in_dim3A_541 : vector<256x1xf32> to vector<1x256x1xf32>
    %reduce_sum3A_563 = arith.constant dense<0.000000e+00> : vector<1xf32>
    %reduce_sum3A_564 = vector.multi_reduction <add>, %reduce_sum3A_562, %reduce_sum3A_563 [1, 2] : vector<1x256x1xf32> to vector<1xf32>
    %reduce_sum3A_565 = vector.shape_cast %reduce_sum3A_564 : vector<1xf32> to vector<1x1x1xf32>
    %reduce_sum3A_566 = vector.extract %reduce_sum3A_565[0, 0, 0] : f32 from vector<1x1x1xf32>
    %eq3A_567 = arith.constant 0 : i32
    %eq3A_568 = arith.cmpi eq, %arg0, %eq3A_567 : i32
    %get3A_569 = arith.constant 0 : index
    %get3A_570 = arith.constant 0 : index
    %get3A_571 = memref.load %arg5[%get3A_569, %get3A_570] : memref<1x1xf32, #tpu.memory_space<smem>>
    %jit3A_572 = arith.constant 0.000000e+00 : f32
    %select_n3A_573 = arith.select %eq3A_568, %jit3A_572, %get3A_571 : f32
    %add3A_574 = arith.addf %select_n3A_573, %reduce_sum3A_566 : f32
    %eq3A_575 = arith.constant 71 : i32
    %eq3A_576 = arith.cmpi eq, %arg0, %eq3A_575 : i32
    %mul3A_577 = arith.constant 2.64909545E-7 : f32
    %mul3A_578 = arith.mulf %add3A_574, %mul3A_577 : f32
    %select_n3A_579 = arith.select %eq3A_576, %mul3A_578, %add3A_574 : f32
    %swap3A_580 = arith.constant 0 : index
    %swap3A_581 = arith.constant 0 : index
    %swap3A_582 = memref.load %arg5[%swap3A_580, %swap3A_581] : memref<1x1xf32, #tpu.memory_space<smem>>
    memref.store %select_n3A_579, %arg5[%swap3A_580, %swap3A_581] : memref<1x1xf32, #tpu.memory_space<smem>>
    return
  }
  func.func @transform_0(%arg0: i32) -> (i32, i32) {
    %c0_i32 = arith.constant 0 : i32
    %c0_i32_0 = arith.constant 0 : i32
    return %arg0, %c0_i32 : i32, i32
  }
  func.func @transform_1(%arg0: i32) -> (i32, i32) {
    %c0_i32 = arith.constant 0 : i32
    %c0_i32_0 = arith.constant 0 : i32
    %c0_i32_1 = arith.constant 0 : i32
    return %c0_i32, %c0_i32_0 : i32, i32
  }
  func.func @transform_2(%arg0: i32) -> (i32, i32) {
    %c0_i32 = arith.constant 0 : i32
    %c0_i32_0 = arith.constant 0 : i32
    %c0_i32_1 = arith.constant 0 : i32
    return %c0_i32, %c0_i32_0 : i32, i32
  }
  func.func @transform_3(%arg0: i32) -> (i32, i32) {
    %c0_i32 = arith.constant 0 : i32
    %c0_i32_0 = arith.constant 0 : i32
    return %arg0, %c0_i32 : i32, i32
  }
  func.func @transform_4(%arg0: i32) -> (i32, i32) {
    %c0_i32 = arith.constant 0 : i32
    %c0_i32_0 = arith.constant 0 : i32
    %c0_i32_1 = arith.constant 0 : i32
    return %c0_i32, %c0_i32_0 : i32, i32
  }
}

</mosaic_0001>

<sc_bundles>
// kernel: kernel.4.cloned.1.call-start
scs
__scs_entry_jumppad:
0x0: {  	(pc) =	sbr.rel $0x88, $3  }
0x1: {  	(tag) =	ssettag $0x0;
	lr =	simm.s32 $0x1  }
0x2: {  	[smem:$0x3F9F] =	sst lr;
	_ =	strace $0xD0000000  }
0x3: {  	_ = 	snop  }
0x4: {  	_ = 	snop  }
0x5: {  	_ = 	snop  }
0x6: {  	_ = 	snop  }
0x7: {  	_ = 	snop  }
__scs_overlays_trampoline_lowered:
0x8: {  	[smem:$0x3FAE] =	sst s0  }
0x9: {  	[smem:$0x3FAF] =	sst s1  }
0xa: {  	[smem:$0x3FB0] =	sst s2  }
0xb: {  	[smem:$0x3FB1] =	sst s3  }
0xc: {  	[smem:$0x3FB2] =	sst s4  }
0xd: {  	[smem:$0x3FB3] =	sst s5  }
0xe: {  	[smem:$0x3FB4] =	sst s6  }
0xf: {  	[smem:$0x3FB5] =	sst s7  }
0x10: {  	[smem:$0x3FB6] =	sst s8  }
0x11: {  	[smem:$0x3FB7] =	sst s9;
	s0 =	simm.s32 @!p0 $0x0  }
0x12: {  	s1 =	sld [smem:$0x3F9D];
	s0 =	simm.s32 @p0 $0x1  }
0x13: {  	[smem:$0x3FB8] =	sst s0;
	s0 =	simm.s32 @!p1 $0x0  }
0x14: {  	s2 =	sld [smem:$0x3F9C];
	s0 =	simm.s32 @p1 $0x1  }
0x15: {  	[smem:$0x3FB9] =	sst s0;
	s0 =	simm.s32 @!p2 $0x0  }
0x16: {  	s3 =	sld [smem:$0x3FDB];
	s0 =	simm.s32 @p2 $0x1  }
0x17: {  	s4 =	simm.s32 $0x1BF5;
	[smem:$0x3FBB] =	sst s0  }
0x18: {  	s0 =	sld [smem:$0x3F9E];
	_ =	swait.ge [sflag:s4], $0x0  }
0x19: {  	s7 =	sld [smem:$0x3F9F]  }
0x1a: {  	s8 =	sadd.s32 $0xFFFFE003, lr  }
0x1b: {  	s9 =	sadd.s32 $0xFFFFFEF7, lr;
	s5 =	simm.s32 $0xFFFFFFFF;
	p2 =	slt.u32 s8, $0xFFFFF086  }
0x1c: {  	p1 =	slt.u32 s9, $0xF7A;
	s5 =	simm.s32 @!p2 $0x0  }
0x1d: {  	s5 =	simm.s32 @p1 $0x1;
	p0 =	seq.s32 s7, s2  }
0x1e: {  	s7 =	smul.u32 @!p0 $0xF7A, s2;
	p2 =	seq.s32 @!p0 s5, $0x0  }
0x1f: {  	s9 =	smul.u32 $0xF7A, s1;
	s8 =	simm.s32 @!p0 $0x1BF5;
	p2 =	por !p2, p0  }
0x20: {  	[sflag:s8] =	ssyncset.s32 @!p0 $0xFFFFF086;
	s6 =	sadd.s32 @!p0 s3, s7;
	s7 =	simm.s32 @!p0 $0x108  }
0x21: {  	s3 =	sadd.s32 s3, s9;
	s6 =	sadd.s32 @!p0 $0x88, s6;
	s7 =	simm.s32 @p2 $0x1082  }
0x22: {  	[simem:s7], [sflag:s8] =	dma.local @!p0 [hbm:s6], $0xF7A  }
0x23: {  	s9 =	sor.u32 $0xD0000000, s2;
	s6 =	simm.s32 $0x108;
	_ =	swait.ge @!p0 [sflag:s8], $0x0  }
0x24: {  	s3 =	sadd.s32 $0x88, s3;
	s6 =	simm.s32 @!p1 $0x1082;
	[sflag:s4] =	ssyncset.s32 $0xFFFFF086  }
0x25: {  	[simem:s6], [sflag:s4] =	dma.local [hbm:s3], $0xF7A  }
0x26: {  	[smem:$0x3F9F] =	sst s1;
	(tag) =	ssettag s2;
	_ =	strace s9  }
0x27: {  	s1 =	sld [smem:$0x3FAF]  }
0x28: {  	s2 =	sld [smem:$0x3FB0]  }
0x29: {  	s4 =	sld [smem:$0x3FB2]  }
0x2a: {  	p0 =	seq.s32 s5, $0x0;
	s5 =	sld [smem:$0x3FB3]  }
0x2b: {  	s6 =	sld [smem:$0x3FB4]  }
0x2c: {  	s7 =	sld [smem:$0x3FB5]  }
0x2d: {  	s3 =	simm.s32 $0x108;
	s8 =	sld [smem:$0x3FB6]  }
0x2e: {  	s3 =	simm.s32 @!p0 $0x1082;
	s9 =	sld [smem:$0x3FB7]  }
0x2f: {  	lr =	sadd.s32 s0, s3;
	s0 =	sld [smem:$0x3FAE]  }
0x30: {  	s3 =	sld [smem:$0x3FB1]  }
0x31: {  	[smem:$0x3FBA] =	sst s10  }
0x32: {  	s10 =	sld [smem:$0x3FB8];
	_ =	sdelay $0x3  }
0x33: {  	p0 =	seq.s32 s10, $0x1;
	s10 =	sld [smem:$0x3FBA];
	_ =	sdelay $0x3  }
0x34: {  	[smem:$0x3FBA] =	sst s10  }
0x35: {  	s10 =	sld [smem:$0x3FB9];
	_ =	sdelay $0x3  }
0x36: {  	p1 =	seq.s32 s10, $0x1;
	s10 =	sld [smem:$0x3FBA];
	_ =	sdelay $0x3  }
0x37: {  	[smem:$0x3FBA] =	sst s10  }
0x38: {  	s10 =	sld [smem:$0x3FBB]  }
0x39: {  	_ = 	snop;
	(pc) =	sbr.ind lr, $3  }
0x3a: {  	_ = 	snop  }
0x3b: {  	_ = 	snop  }
0x3c: {  	p2 =	seq.s32 s10, $0x1;
	s10 =	sld [smem:$0x3FBA]  }
0x3d: {  	_ =	shalt  }
0x3e: {  	_ =	shalt  }
0x3f: {  	_ =	shalt  }
0x40: {  	_ =	shalt  }
0x41: {  	_ =	shalt  }
0x42: {  	_ =	shalt  }
0x43: {  	_ =	shalt  }
0x44: {  	_ =	shalt  }
0x45: {  	_ =	shalt  }
0x46: {  	_ =	shalt  }
0x47: {  	_ =	shalt  }
0x48: {  	_ =	shalt  }
0x49: {  	_ =	shalt  }
0x4a: {  	_ =	shalt  }
0x4b: {  	_ =	shalt  }
0x4c: {  	_ =	shalt  }
0x4d: {  	_ =	shalt  }
0x4e: {  	_ =	shalt  }
0x4f: {  	_ =	shalt  }
0x50: {  	_ =	shalt  }
0x51: {  	_ =	shalt  }
0x52: {  	_ =	shalt  }
0x53: {  	_ =	shalt  }
0x54: {  	_ =	shalt  }
0x55: {  	_ =	shalt  }
0x56: {  	_ =	shalt  }
0x57: {  	_ =	shalt  }
0x58: {  	_ =	shalt  }
0x59: {  	_ =	shalt  }
0x5a: {  	_ =	shalt  }
0x5b: {  	_ =	shalt  }
0x5c: {  	_ =	shalt  }
0x5d: {  	_ =	shalt  }
0x5e: {  	_ =	shalt  }
0x5f: {  	_ =	shalt  }
0x60: {  	_ =	shalt  }
0x61: {  	_ =	shalt  }
0x62: {  	_ =	shalt  }
0x63: {  	_ =	shalt  }
0x64: {  	_ =	shalt  }
0x65: {  	_ =	shalt  }
0x66: {  	_ =	shalt  }
0x67: {  	_ =	shalt  }
0x68: {  	_ =	shalt  }
0x69: {  	_ =	shalt  }
0x6a: {  	_ =	shalt  }
0x6b: {  	_ =	shalt  }
0x6c: {  	_ =	shalt  }
0x6d: {  	_ =	shalt  }
0x6e: {  	_ =	shalt  }
0x6f: {  	_ =	shalt  }
0x70: {  	_ =	shalt  }
0x71: {  	_ =	shalt  }
0x72: {  	_ =	shalt  }
0x73: {  	_ =	shalt  }
0x74: {  	_ =	shalt  }
0x75: {  	_ =	shalt  }
0x76: {  	_ =	shalt  }
0x77: {  	_ =	shalt  }
0x78: {  	_ =	shalt  }
0x79: {  	_ =	shalt  }
0x7a: {  	_ =	shalt  }
0x7b: {  	_ =	shalt  }
0x7c: {  	_ =	shalt  }
0x7d: {  	_ =	shalt  }
0x7e: {  	_ =	shalt  }
0x7f: {  	_ =	shalt  }
0x80: {  	_ =	shalt  }
0x81: {  	_ =	shalt  }
0x82: {  	_ =	shalt  }
0x83: {  	_ =	shalt  }
0x84: {  	_ =	shalt  }
0x85: {  	_ =	shalt  }
0x86: {  	_ =	shalt  }
0x87: {  	_ =	shalt  }
.Lfunc_end0:
.L_simem_size_0:
called_computation_lowered:
.L_overlay_start_0:
0x88: {  	s2 =	sld [smem:$0x3FD9]  }
0x89: {  	s3 =	sld [smem:$0x3FFE];
	_ =	sdelay $0x1  }
0x8a: {  	s1 =	srdreg.scid  }
0x8b: {  	s0 =	sand.u32 $0x1, s1  }
0x8c: {  	s14 =	sshll.u32 s0, $0xA;
	s2 =	sadd.s32 s3, s2  }
0x8d: {  	s2 =	sadd.s32 s2, s14  }
0x8e: {  	[smem:$0x3FC6] =	sst s2  }
0x8f: {  	_ = 	snop  }
0x90: {  	s2 =	sld [smem:$0x3FD0];
	_ =	sdelay $0x2  }
0x91: {  	s4 =	simm.s32 $0xA;
	s5 =	simm.s32 $0x10;
	s15 =	sld [smem:$0x3FC8]  }
0x92: {  	[smem:s5], [sflag:s4] =	dma.local [hbm:s2], $0x1  }
0x93: {  	_ =	swait.eq [sflag:s4], $0x1  }
0x94: {  	[sflag:s4] =	ssyncset.done $0x0  }
0x95: {  	[sflag:s4] =	ssyncadd.s32 $0xFFFFFFFF  }
0x96: {  	s16 =	sld [smem:$0x10];
	(tm) =	ssettm $0x1  }
0x97: {  	s17 =	sld [smem:$0x3FFB];
	_ =	sdelay $0x3  }
0x98: {  	_ =	strace s17  }
0x99: {  	s4 =	sld [smem:$0x3FFC];
	_ =	sdelay $0x3  }
0x9a: {  	_ =	strace s4  }
0x9b: {  	s4 =	sld [smem:$0x3FFD];
	_ =	sdelay $0x3  }
0x9c: {  	_ =	strace s4  }
0x9d: {  	_ =	strace $0x8FFFFFFF  }
0x9e: {  	s18 =	sld [smem:$0x3FDB];
	_ =	sdelay $0x1  }
0x9f: {  	s19 =	simm.s32 $_scs_section_size  }
0xa0: {  	s6 =	simm.s32 $_size__tile_overlayer_lowered;
	s7 =	simm.s32 $_tile_overlayer_lowered  }
0xa1: {  	s22 =	simm.s32 $0x1BFF;
	s21 =	sshll.u32 s7, $0x1;
	s4 =	sadd.s32 s19, s18  }
0xa2: {  	s8 =	simm.s32 $0x0;
	s20 =	sshll.u32 s6, $0x1;
	s6 =	sadd.s32 s21, s4  }
0xa3: {  	[timem:s8], [sflag:s22] =	dma.local [hbm:s6], s20  }
0xa4: {  	_ =	swait.ge [sflag:s22], s20  }
0xa5: {  	s5 =	ssub.s32 $0x0, s20;
	[sflag:s22] =	ssyncset.done $0x0  }
0xa6: {  	[sflag:s22] =	ssyncadd.s32 s5;
	_ =	sdelay $0x1  }
0xa7: {  	s23 =	simm.s32 $0x1B8B  }
0xa8: {  	_ =	swait.ge [sflag:s23], $0x1  }
0xa9: {  	[sflag:s23] =	ssyncset.done $0x0  }
0xaa: {  	s25 =	simm.s32 $0x1B8E;
	s24 =	sld [smem:$0x3FFE];
	[sflag:s23] =	ssyncadd.s32 $0xFFFFFFFF  }
0xab: {  	s26 =	simm.s32 $execute0_lowered;
	[smem:$0x3FD2] =	sst s25  }
0xac: {  	s6 =	sshll.u32 s26, $0x1;
	_ =	strace $0x80000046;
	[dreg:$0x1] =	wrdreg $0xFFFFFFFF  }
0xad: {  	s28 =	simm.s32 $_size_execute0_lowered;
	s4 =	sadd.s32 s4, s6;
	[dreg:$0x0] =	wrdreg $0x0  }
0xae: {  	s6 =	sshll.u32 s28, $0x1;
	[dreg:$0x2] =	wrdreg s4  }
0xaf: {  	[dreg:$0x3] =	wrdreg s6  }
0xb0: {  	[dreg:$0x4] =	wrdreg $0xC0  }
0xb1: {  	_ =	task [dreg:s8], $0x5FFFF  }
0xb2: {  	[dreg:$0x1] =	wrdreg $0xFFFFFFFF  }
0xb3: {  	[dreg:$0x0] =	wrdreg $0x60  }
0xb4: {  	[dreg:$0x2] =	wrdreg s15  }
0xb5: {  	[dreg:$0x3] =	wrdreg s24  }
0xb6: {  	[dreg:$0x4] =	wrdreg s16  }
0xb7: {  	[dreg:$0x5] =	wrdreg $0x9  }
0xb8: {  	_ =	task.clear_ibuf [dreg:s8], $0x6FFFF;
	_ =	strace $0x90000046  }
0xb9: {  	s29 =	simm.s32 $0x9;
	_ =	strace $0x80000048  }
0xba: {  	_ =	swait.ge [sflag:s29], $0x1  }
0xbb: {  	[sflag:s29] =	ssyncadd.s32 $0xFFFFFFFF  }
0xbc: {  	_ =	strace $0x90000048  }
0xbd: {  	_ =	sfence  }
0xbe: {  	s30 =	sld [smem:$0x0];
	_ =	sdelay $0x2  }
0xbf: {  	s31 =	sshll.u32 s1, $0xD;
	s1 =	sshrl.u32 s1, $0x2  }
0xc0: {  	s3 =	sand.u32 $0x4000, s31;
	s1 =	sadd.s32 s1, s30  }
0xc1: {  	s0 =	sor.u32 s3, s0;
	s1 =	sshll.u32 s1, $0x11  }
0xc2: {  	s0 =	sor.u32 s1, s0  }
0xc3: {  	s0 =	sadd.s32 $0x8F2B, s0  }
0xc4: {  	[sflag:s0] =	ssyncadd.remote.s32 $0x1  }
0xc5: {  	_ =	sfence.sel $0xFFFF  }
0xc6: {  	[dreg:$0x0] =	wrdreg $0xFFFFFFFF;
	(pc) =	sbr.abs _section_cstart, $3  }
0xc7: {  	[dreg:$0x1] =	wrdreg $0xFFFFFFFF  }
0xc8: {  	_ =	task.clear_ibuf [dreg:s8], $0x2FFFF;
	_ =	strace $0x9FFFFFFF  }
0xc9: {  	(tm) =	ssettm $0x7FFFFFFF  }
tec
execute0_lowered:
.L_overlay_start_1:
0x0: {  	(tag) =	ssettag $0x1  }
0x1: {  	s1 =	rddreg [dreg:$0x0]  }
0x2: {  	s0 =	srdreg.scid;
	s4 =	rddreg [dreg:$0x1]  }
0x3: {  	s2 =	stileid.u32;
	s5 =	rddreg [dreg:$0x2];
	s3 =	simm.s32 $0x0  }
0x4: {  	s11 =	simm.s32 $0x1;
	s17 =	simm.s32 $0x2;
	s19 =	simm.s32 $0xA80  }
0x5: {  	s20 =	simm.s32 $0x1280;
	s28 =	simm.s32 $0x4280;
	s29 =	simm.s32 $0x4A80  }
0x6: {  	s30 =	simm.s32 $0x5280;
	s31 =	simm.s32 $0x5A80;
	s8 =	simm.s32 $0x7A80  }
0x7: {  	s9 =	simm.s32 $0x8280;
	s0 =	sand.u32 $0x1, s0;
	s2 =	sshll.u32 s2, $0x1  }
0x8: {  	s10 =	simm.s32 $0x8A80;
	s13 =	simm.s32 $0xAA80;
	s2 =	sor.u32 s0, s2  }
0x9: {  	s14 =	simm.s32 $0xB280;
	s15 =	simm.s32 $0xBA80;
	s6 =	smul.u32 $0x48, s2  }
0xa: {  	[smem:$0x7FF] =	sst s3;
	s0 =	ssub.s32 $0x2, s0;
	s7 =	smul.u32 $0x24000, s2  }
0xb: {  	_ =	strace $0x80000047;
	s2 =	smul.u32 $0x4800, s2;
	s24 =	sshrl.u32 s0, $0x1  }
0xc: {  	s0 =	ssub.s32 s0, s24;
	s24 =	simm.s32 $0xC280;
	s4 =	sadd.s32 s6, s4  }
0xd: {  	s21 =	sshrl.u32 s7, $0x3;
	s2 =	sadd.s32 s5, s2;
	s6 =	simm.s32 $0x6A80  }
0xe: {  	s4 =	sadd.s32 $0x400, s4;
	s22 =	sadd.s32 s5, s21;
	[dreg:$0x5] =	wrdreg s2  }
0xf: {  	s7 =	simm.s32 $0x7280;
	[dreg:$0x4] =	wrdreg s4;
	s23 =	sadd.s32 $0x1200, s22  }
0x10: {  	s5 =	simm.s32 $0x3;
	s25 =	sadd.s32 $0x2400, s22;
	[dreg:$0x6] =	wrdreg s23  }
0x11: {  	v2 =	vlaneseq.u32;
	s21 =	simm.s32 $0x1A80;
	s26 =	sadd.s32 $0x3600, s22;
	[dreg:$0x7] =	wrdreg s25  }
0x12: {  	vm0 =	vmmov $0xffff;
	v1 =	vshrl.u32 v2, $0x3;
	s4 =	smax.u32 s0, $0x1;
	s22 =	simm.s32 $0x2280;
	[dreg:$0x8] =	wrdreg s26  }
0x13: {  	v0 =	vand.u32 $0x7, v2;
	v2 =	vor.u32 $0x8, v2;
	v1 =	vmul.u32 $0x8, v1;
	s23 =	simm.s32 $0x2A80;
	s25 =	simm.s32 $0x3280;
	s26 =	simm.s32 $0x3A80  }
.LBB2_1:
0x14: {  	s18 =	rddreg [dreg:$0x4]  }
0x15: {  	[tilespmem:s3], [sflag:$0x3] =	stream.linear.gather [hbm4b:s18+s3], $0x240, $0x38;
	[tilespmem:$0x12280] =	vst v63  }
0x16: {  	_ =	swait.ge [sflag:s5], $0x240  }
0x17: {  	[sflag:s5] =	ssyncset.done $0x0  }
0x18: {  	[sflag:s5] =	ssyncadd.s32 $0xFFFFFDC0  }
0x19: {  	v3 =	vld [tilespmem:$0x0];
	_ =	sdelay $0x4  }
0x1a: {  	v4 =	vshll.u32 v3, $0x1  }
0x1b: {  	v3 =	vand.u32 $0x7, v3;
	v4 =	vand.u32 $0xFFFFFFF0, v4  }
0x1c: {  	v3 =	vor.u32 v3, v4  }
0x1d: {  	v4 =	vperm.xlane v3, v0;
	_ =	sdelay $0x1  }
0x1e: {  	v3 =	vperm.xlane v3, v2;
	v4 =	vadd.s32 v1, v4;
	_ =	sdelay $0x1  }
0x1f: {  	v3 =	vadd.s32 v1, v3;
	_ =	sdelay $0x1  }
0x20: {  	s0 =	simm.s32 $0x280  }
0x21: {  	[tilespmem:s0], [sflag:$0x1] =	stream.indirect_vreg.gather [hbm4b:s1+s3], $0x80, v4, vm0, $0xb8;
	[tilespmem:$0x12280] =	vst v63  }
0x22: {  	_ = 	snop  }
0x23: {  	[tilespmem:s19], [sflag:$0x1] =	stream.indirect_vreg.gather [hbm4b:s1+s3], $0x80, v3, vm0, $0xb8;
	[tilespmem:$0x12280] =	vst v63  }
0x24: {  	v3 =	vld [tilespmem:$0x10];
	_ =	sdelay $0x4  }
0x25: {  	v29 =	vshll.u32 v3, $0x1  }
0x26: {  	v3 =	vand.u32 $0x7, v3;
	v4 =	vand.u32 $0xFFFFFFF0, v29  }
0x27: {  	v3 =	vor.u32 v3, v4  }
0x28: {  	v4 =	vperm.xlane v3, v0;
	_ =	sdelay $0x1  }
0x29: {  	v3 =	vperm.xlane v3, v2;
	v4 =	vadd.s32 v1, v4;
	_ =	sdelay $0x1  }
0x2a: {  	v3 =	vadd.s32 v1, v3;
	_ =	sdelay $0x2  }
0x2b: {  	[tilespmem:s20], [sflag:$0x1] =	stream.indirect_vreg.gather [hbm4b:s1+s3], $0x80, v4, vm0, $0xb8;
	[tilespmem:$0x12280] =	vst v63  }
0x2c: {  	_ = 	snop  }
0x2d: {  	[tilespmem:s21], [sflag:$0x1] =	stream.indirect_vreg.gather [hbm4b:s1+s3], $0x80, v3, vm0, $0xb8;
	[tilespmem:$0x12280] =	vst v63  }
0x2e: {  	v3 =	vld [tilespmem:$0x20];
	_ =	sdelay $0x4  }
0x2f: {  	v30 =	vshll.u32 v3, $0x1  }
0x30: {  	v3 =	vand.u32 $0x7, v3;
	v4 =	vand.u32 $0xFFFFFFF0, v30  }
0x31: {  	v3 =	vor.u32 v3, v4  }
0x32: {  	v4 =	vperm.xlane v3, v0;
	_ =	sdelay $0x1  }
0x33: {  	v3 =	vperm.xlane v3, v2;
	v4 =	vadd.s32 v1, v4;
	_ =	sdelay $0x1  }
0x34: {  	v3 =	vadd.s32 v1, v3;
	_ =	sdelay $0x2  }
0x35: {  	[tilespmem:s22], [sflag:$0x1] =	stream.indirect_vreg.gather [hbm4b:s1+s3], $0x80, v4, vm0, $0xb8;
	[tilespmem:$0x12280] =	vst v63  }
0x36: {  	_ = 	snop  }
0x37: {  	[tilespmem:s23], [sflag:$0x1] =	stream.indirect_vreg.gather [hbm4b:s1+s3], $0x80, v3, vm0, $0xb8;
	[tilespmem:$0x12280] =	vst v63  }
0x38: {  	v3 =	vld [tilespmem:$0x30];
	_ =	sdelay $0x4  }
0x39: {  	v31 =	vshll.u32 v3, $0x1  }
0x3a: {  	v3 =	vand.u32 $0x7, v3;
	v4 =	vand.u32 $0xFFFFFFF0, v31  }
0x3b: {  	v3 =	vor.u32 v3, v4  }
0x3c: {  	v4 =	vperm.xlane v3, v0;
	_ =	sdelay $0x1  }
0x3d: {  	v3 =	vperm.xlane v3, v2;
	v4 =	vadd.s32 v1, v4;
	_ =	sdelay $0x1  }
0x3e: {  	v3 =	vadd.s32 v1, v3;
	_ =	sdelay $0x2  }
0x3f: {  	[tilespmem:s25], [sflag:$0x1] =	stream.indirect_vreg.gather [hbm4b:s1+s3], $0x80, v4, vm0, $0xb8;
	[tilespmem:$0x12280] =	vst v63  }
0x40: {  	_ = 	snop  }
0x41: {  	[tilespmem:s26], [sflag:$0x1] =	stream.indirect_vreg.gather [hbm4b:s1+s3], $0x80, v3, vm0, $0xb8;
	[tilespmem:$0x12280] =	vst v63  }
0x42: {  	v3 =	vld [tilespmem:$0x40];
	_ =	sdelay $0x4  }
0x43: {  	v32 =	vshll.u32 v3, $0x1  }
0x44: {  	v3 =	vand.u32 $0x7, v3;
	v4 =	vand.u32 $0xFFFFFFF0, v32  }
0x45: {  	v3 =	vor.u32 v3, v4  }
0x46: {  	v4 =	vperm.xlane v3, v0;
	_ =	sdelay $0x1  }
0x47: {  	v3 =	vperm.xlane v3, v2;
	v4 =	vadd.s32 v1, v4;
	_ =	sdelay $0x1  }
0x48: {  	v3 =	vadd.s32 v1, v3;
	_ =	sdelay $0x2  }
0x49: {  	[tilespmem:s28], [sflag:$0x1] =	stream.indirect_vreg.gather [hbm4b:s1+s3], $0x80, v4, vm0, $0xb8;
	[tilespmem:$0x12280] =	vst v63  }
0x4a: {  	_ = 	snop  }
0x4b: {  	[tilespmem:s29], [sflag:$0x1] =	stream.indirect_vreg.gather [hbm4b:s1+s3], $0x80, v3, vm0, $0xb8;
	[tilespmem:$0x12280] =	vst v63  }
0x4c: {  	v3 =	vld [tilespmem:$0x50];
	_ =	sdelay $0x4  }
0x4d: {  	v33 =	vshll.u32 v3, $0x1  }
0x4e: {  	v3 =	vand.u32 $0x7, v3;
	v4 =	vand.u32 $0xFFFFFFF0, v33  }
0x4f: {  	v3 =	vor.u32 v3, v4  }
0x50: {  	v4 =	vperm.xlane v3, v0;
	_ =	sdelay $0x1  }
0x51: {  	v3 =	vperm.xlane v3, v2;
	v4 =	vadd.s32 v1, v4;
	_ =	sdelay $0x1  }
0x52: {  	v3 =	vadd.s32 v1, v3;
	_ =	sdelay $0x2  }
0x53: {  	[tilespmem:s30], [sflag:$0x1] =	stream.indirect_vreg.gather [hbm4b:s1+s3], $0x80, v4, vm0, $0xb8;
	[tilespmem:$0x12280] =	vst v63  }
0x54: {  	_ = 	snop  }
0x55: {  	[tilespmem:s31], [sflag:$0x1] =	stream.indirect_vreg.gather [hbm4b:s1+s3], $0x80, v3, vm0, $0xb8;
	[tilespmem:$0x12280] =	vst v63  }
0x56: {  	v3 =	vld [tilespmem:$0x60];
	_ =	sdelay $0x4  }
0x57: {  	v34 =	vshll.u32 v3, $0x1  }
0x58: {  	v3 =	vand.u32 $0x7, v3;
	v4 =	vand.u32 $0xFFFFFFF0, v34  }
0x59: {  	v3 =	vor.u32 v3, v4  }
0x5a: {  	v4 =	vperm.xlane v3, v0;
	_ =	sdelay $0x1  }
0x5b: {  	v3 =	vperm.xlane v3, v2;
	v4 =	vadd.s32 v1, v4;
	_ =	sdelay $0x1  }
0x5c: {  	v3 =	vadd.s32 v1, v3;
	_ =	sdelay $0x1  }
0x5d: {  	s2 =	simm.s32 $0x6280  }
0x5e: {  	[tilespmem:s2], [sflag:$0x1] =	stream.indirect_vreg.gather [hbm4b:s1+s3], $0x80, v4, vm0, $0xb8;
	[tilespmem:$0x12280] =	vst v63  }
0x5f: {  	_ = 	snop  }
0x60: {  	[tilespmem:s6], [sflag:$0x1] =	stream.indirect_vreg.gather [hbm4b:s1+s3], $0x80, v3, vm0, $0xb8;
	[tilespmem:$0x12280] =	vst v63  }
0x61: {  	v3 =	vld [tilespmem:$0x70];
	_ =	sdelay $0x4  }
0x62: {  	v35 =	vshll.u32 v3, $0x1  }
0x63: {  	v3 =	vand.u32 $0x7, v3;
	v4 =	vand.u32 $0xFFFFFFF0, v35  }
0x64: {  	v3 =	vor.u32 v3, v4  }
0x65: {  	v4 =	vperm.xlane v3, v0;
	_ =	sdelay $0x1  }
0x66: {  	v3 =	vperm.xlane v3, v2;
	v4 =	vadd.s32 v1, v4;
	_ =	sdelay $0x1  }
0x67: {  	v3 =	vadd.s32 v1, v3;
	_ =	sdelay $0x2  }
0x68: {  	[tilespmem:s7], [sflag:$0x1] =	stream.indirect_vreg.gather [hbm4b:s1+s3], $0x80, v4, vm0, $0xb8;
	[tilespmem:$0x12280] =	vst v63  }
0x69: {  	_ = 	snop  }
0x6a: {  	[tilespmem:s8], [sflag:$0x1] =	stream.indirect_vreg.gather [hbm4b:s1+s3], $0x80, v3, vm0, $0xb8;
	[tilespmem:$0x12280] =	vst v63  }
0x6b: {  	v3 =	vld [tilespmem:$0x80];
	_ =	sdelay $0x4  }
0x6c: {  	v36 =	vshll.u32 v3, $0x1  }
0x6d: {  	v3 =	vand.u32 $0x7, v3;
	v4 =	vand.u32 $0xFFFFFFF0, v36  }
0x6e: {  	v3 =	vor.u32 v3, v4  }
0x6f: {  	v4 =	vperm.xlane v3, v0;
	_ =	sdelay $0x1  }
0x70: {  	v3 =	vperm.xlane v3, v2;
	v4 =	vadd.s32 v1, v4;
	_ =	sdelay $0x1  }
0x71: {  	v3 =	vadd.s32 v1, v3;
	_ =	sdelay $0x2  }
0x72: {  	[tilespmem:s9], [sflag:$0x1] =	stream.indirect_vreg.gather [hbm4b:s1+s3], $0x80, v4, vm0, $0xb8;
	[tilespmem:$0x12280] =	vst v63  }
0x73: {  	_ = 	snop  }
0x74: {  	[tilespmem:s10], [sflag:$0x1] =	stream.indirect_vreg.gather [hbm4b:s1+s3], $0x80, v3, vm0, $0xb8;
	[tilespmem:$0x12280] =	vst v63  }
0x75: {  	v3 =	vld [tilespmem:$0x90];
	_ =	sdelay $0x4  }
0x76: {  	v37 =	vshll.u32 v3, $0x1  }
0x77: {  	v3 =	vand.u32 $0x7, v3;
	v4 =	vand.u32 $0xFFFFFFF0, v37  }
0x78: {  	v3 =	vor.u32 v3, v4  }
0x79: {  	v4 =	vperm.xlane v3, v0;
	_ =	sdelay $0x1  }
0x7a: {  	v3 =	vperm.xlane v3, v2;
	v4 =	vadd.s32 v1, v4;
	_ =	sdelay $0x1  }
0x7b: {  	v3 =	vadd.s32 v1, v3;
	_ =	sdelay $0x1  }
0x7c: {  	s0 =	simm.s32 $0x9280  }
0x7d: {  	[tilespmem:s0], [sflag:$0x2] =	stream.indirect_vreg.gather [hbm4b:s1+s3], $0x80, v4, vm0, $0xb8;
	[tilespmem:$0x12280] =	vst v63  }
0x7e: {  	s12 =	simm.s32 $0x9A80  }
0x7f: {  	[tilespmem:s12], [sflag:$0x2] =	stream.indirect_vreg.gather [hbm4b:s1+s3], $0x80, v3, vm0, $0xb8;
	[tilespmem:$0x12280] =	vst v63  }
0x80: {  	v3 =	vld [tilespmem:$0xA0];
	_ =	sdelay $0x4  }
0x81: {  	v38 =	vshll.u32 v3, $0x1  }
0x82: {  	v3 =	vand.u32 $0x7, v3;
	v4 =	vand.u32 $0xFFFFFFF0, v38  }
0x83: {  	v3 =	vor.u32 v3, v4  }
0x84: {  	v4 =	vperm.xlane v3, v0;
	_ =	sdelay $0x1  }
0x85: {  	v3 =	vperm.xlane v3, v2;
	v4 =	vadd.s32 v1, v4;
	_ =	sdelay $0x1  }
0x86: {  	v3 =	vadd.s32 v1, v3;
	_ =	sdelay $0x1  }
0x87: {  	s12 =	simm.s32 $0xA280  }
0x88: {  	[tilespmem:s12], [sflag:$0x2] =	stream.indirect_vreg.gather [hbm4b:s1+s3], $0x80, v4, vm0, $0xb8;
	[tilespmem:$0x12280] =	vst v63  }
0x89: {  	_ = 	snop  }
0x8a: {  	[tilespmem:s13], [sflag:$0x2] =	stream.indirect_vreg.gather [hbm4b:s1+s3], $0x80, v3, vm0, $0xb8;
	[tilespmem:$0x12280] =	vst v63  }
0x8b: {  	v3 =	vld [tilespmem:$0xB0];
	_ =	sdelay $0x4  }
0x8c: {  	v39 =	vshll.u32 v3, $0x1  }
0x8d: {  	v3 =	vand.u32 $0x7, v3;
	v4 =	vand.u32 $0xFFFFFFF0, v39  }
0x8e: {  	v3 =	vor.u32 v3, v4  }
0x8f: {  	v4 =	vperm.xlane v3, v0;
	_ =	sdelay $0x1  }
0x90: {  	v3 =	vperm.xlane v3, v2;
	v4 =	vadd.s32 v1, v4;
	_ =	sdelay $0x1  }
0x91: {  	v3 =	vadd.s32 v1, v3;
	_ =	sdelay $0x2  }
0x92: {  	[tilespmem:s14], [sflag:$0x2] =	stream.indirect_vreg.gather [hbm4b:s1+s3], $0x80, v4, vm0, $0xb8;
	[tilespmem:$0x12280] =	vst v63  }
0x93: {  	_ = 	snop  }
0x94: {  	[tilespmem:s15], [sflag:$0x2] =	stream.indirect_vreg.gather [hbm4b:s1+s3], $0x80, v3, vm0, $0xb8;
	[tilespmem:$0x12280] =	vst v63  }
0x95: {  	v3 =	vld [tilespmem:$0xC0];
	_ =	sdelay $0x4  }
0x96: {  	v40 =	vshll.u32 v3, $0x1  }
0x97: {  	v3 =	vand.u32 $0x7, v3;
	v4 =	vand.u32 $0xFFFFFFF0, v40  }
0x98: {  	v3 =	vor.u32 v3, v4  }
0x99: {  	v4 =	vperm.xlane v3, v0;
	_ =	sdelay $0x1  }
0x9a: {  	v3 =	vperm.xlane v3, v2;
	v4 =	vadd.s32 v1, v4;
	_ =	sdelay $0x1  }
0x9b: {  	v3 =	vadd.s32 v1, v3;
	_ =	sdelay $0x2  }
0x9c: {  	[tilespmem:s24], [sflag:$0x2] =	stream.indirect_vreg.gather [hbm4b:s1+s3], $0x80, v4, vm0, $0xb8;
	[tilespmem:$0x12280] =	vst v63  }
0x9d: {  	s16 =	simm.s32 $0xCA80  }
0x9e: {  	[tilespmem:s16], [sflag:$0x2] =	stream.indirect_vreg.gather [hbm4b:s1+s3], $0x80, v3, vm0, $0xb8;
	[tilespmem:$0x12280] =	vst v63  }
0x9f: {  	v3 =	vld [tilespmem:$0xD0];
	_ =	sdelay $0x4  }
0xa0: {  	v41 =	vshll.u32 v3, $0x1  }
0xa1: {  	v3 =	vand.u32 $0x7, v3;
	v4 =	vand.u32 $0xFFFFFFF0, v41  }
0xa2: {  	v3 =	vor.u32 v3, v4  }
0xa3: {  	v4 =	vperm.xlane v3, v0;
	_ =	sdelay $0x1  }
0xa4: {  	v3 =	vperm.xlane v3, v2;
	v4 =	vadd.s32 v1, v4;
	_ =	sdelay $0x1  }
0xa5: {  	v3 =	vadd.s32 v1, v3;
	_ =	sdelay $0x1  }
0xa6: {  	s18 =	simm.s32 $0xD280  }
0xa7: {  	[tilespmem:s18], [sflag:$0x2] =	stream.indirect_vreg.gather [hbm4b:s1+s3], $0x80, v4, vm0, $0xb8;
	[tilespmem:$0x12280] =	vst v63  }
0xa8: {  	s18 =	simm.s32 $0xDA80  }
0xa9: {  	[tilespmem:s18], [sflag:$0x2] =	stream.indirect_vreg.gather [hbm4b:s1+s3], $0x80, v3, vm0, $0xb8;
	[tilespmem:$0x12280] =	vst v63  }
0xaa: {  	v3 =	vld [tilespmem:$0xE0];
	_ =	sdelay $0x4  }
0xab: {  	v42 =	vshll.u32 v3, $0x1  }
0xac: {  	v3 =	vand.u32 $0x7, v3;
	v4 =	vand.u32 $0xFFFFFFF0, v42  }
0xad: {  	v3 =	vor.u32 v3, v4  }
0xae: {  	v4 =	vperm.xlane v3, v0;
	_ =	sdelay $0x1  }
0xaf: {  	v3 =	vperm.xlane v3, v2;
	v4 =	vadd.s32 v1, v4;
	_ =	sdelay $0x1  }
0xb0: {  	v3 =	vadd.s32 v1, v3;
	_ =	sdelay $0x1  }
0xb1: {  	s18 =	simm.s32 $0xE280  }
0xb2: {  	[tilespmem:s18], [sflag:$0x2] =	stream.indirect_vreg.gather [hbm4b:s1+s3], $0x80, v4, vm0, $0xb8;
	[tilespmem:$0x12280] =	vst v63  }
0xb3: {  	s18 =	simm.s32 $0xEA80  }
0xb4: {  	[tilespmem:s18], [sflag:$0x2] =	stream.indirect_vreg.gather [hbm4b:s1+s3], $0x80, v3, vm0, $0xb8;
	[tilespmem:$0x12280] =	vst v63  }
0xb5: {  	v3 =	vld [tilespmem:$0xF0];
	_ =	sdelay $0x4  }
0xb6: {  	v43 =	vshll.u32 v3, $0x1  }
0xb7: {  	v3 =	vand.u32 $0x7, v3;
	v4 =	vand.u32 $0xFFFFFFF0, v43  }
0xb8: {  	v3 =	vor.u32 v3, v4  }
0xb9: {  	v4 =	vperm.xlane v3, v0;
	_ =	sdelay $0x1  }
0xba: {  	v3 =	vperm.xlane v3, v2;
	v4 =	vadd.s32 v1, v4;
	_ =	sdelay $0x1  }
0xbb: {  	v3 =	vadd.s32 v1, v3;
	_ =	sdelay $0x1  }
0xbc: {  	s18 =	simm.s32 $0xF280  }
0xbd: {  	[tilespmem:s18], [sflag:$0x2] =	stream.indirect_vreg.gather [hbm4b:s1+s3], $0x80, v4, vm0, $0xb8;
	[tilespmem:$0x12280] =	vst v63  }
0xbe: {  	s18 =	simm.s32 $0xFA80  }
0xbf: {  	[tilespmem:s18], [sflag:$0x2] =	stream.indirect_vreg.gather [hbm4b:s1+s3], $0x80, v3, vm0, $0xb8;
	[tilespmem:$0x12280] =	vst v63  }
0xc0: {  	v3 =	vld [tilespmem:$0x100];
	_ =	sdelay $0x4  }
0xc1: {  	v44 =	vshll.u32 v3, $0x1  }
0xc2: {  	v3 =	vand.u32 $0x7, v3;
	v4 =	vand.u32 $0xFFFFFFF0, v44  }
0xc3: {  	v3 =	vor.u32 v3, v4  }
0xc4: {  	v4 =	vperm.xlane v3, v0;
	_ =	sdelay $0x1  }
0xc5: {  	v3 =	vperm.xlane v3, v2;
	v4 =	vadd.s32 v1, v4;
	_ =	sdelay $0x1  }
0xc6: {  	v3 =	vadd.s32 v1, v3;
	_ =	sdelay $0x1  }
0xc7: {  	s18 =	simm.s32 $0x10280  }
0xc8: {  	[tilespmem:s18], [sflag:$0x2] =	stream.indirect_vreg.gather [hbm4b:s1+s3], $0x80, v4, vm0, $0xb8;
	[tilespmem:$0x12280] =	vst v63  }
0xc9: {  	s18 =	simm.s32 $0x10A80  }
0xca: {  	[tilespmem:s18], [sflag:$0x2] =	stream.indirect_vreg.gather [hbm4b:s1+s3], $0x80, v3, vm0, $0xb8;
	[tilespmem:$0x12280] =	vst v63  }
0xcb: {  	v3 =	vld [tilespmem:$0x110];
	_ =	sdelay $0x4  }
0xcc: {  	v45 =	vshll.u32 v3, $0x1  }
0xcd: {  	v3 =	vand.u32 $0x7, v3;
	v4 =	vand.u32 $0xFFFFFFF0, v45  }
0xce: {  	v3 =	vor.u32 v3, v4  }
0xcf: {  	v4 =	vperm.xlane v3, v0;
	_ =	sdelay $0x1  }
0xd0: {  	v3 =	vperm.xlane v3, v2;
	v4 =	vadd.s32 v1, v4;
	_ =	sdelay $0x1  }
0xd1: {  	v3 =	vadd.s32 v1, v3;
	_ =	sdelay $0x1  }
0xd2: {  	s18 =	simm.s32 $0x11280  }
0xd3: {  	[tilespmem:s18], [sflag:$0x2] =	stream.indirect_vreg.gather [hbm4b:s1+s3], $0x80, v4, vm0, $0xb8;
	[tilespmem:$0x12280] =	vst v63  }
0xd4: {  	s18 =	simm.s32 $0x11A80  }
0xd5: {  	[tilespmem:s18], [sflag:$0x2] =	stream.indirect_vreg.gather [hbm4b:s1+s3], $0x80, v3, vm0, $0xb8;
	[tilespmem:$0x12280] =	vst v63  }
0xd6: {  	_ =	swait.ge [sflag:s11], $0x9000  }
0xd7: {  	[sflag:s11] =	ssyncset.done $0x0  }
0xd8: {  	s16 =	simm.s32 $0x280;
	s18 =	rddreg [dreg:$0x5];
	[sflag:s11] =	ssyncadd.s32 $0xFFFF7000  }
0xd9: {  	[hbm4b:s18+s3] =	stream.linear.scatter [tilespmem:s16], [sflag:$0x3], $0x9000, $0x38;
	[tilespmem:$0x12280] =	vst v63  }
0xda: {  	_ =	swait.ge [sflag:s5], $0x9000  }
0xdb: {  	[sflag:s5] =	ssyncset.done $0x0  }
0xdc: {  	[sflag:s5] =	ssyncadd.s32 $0xFFFF7000  }
0xdd: {  	v3 =	vld [tilespmem:$0x120];
	_ =	sdelay $0x4  }
0xde: {  	v46 =	vshll.u32 v3, $0x1  }
0xdf: {  	v3 =	vand.u32 $0x7, v3;
	v4 =	vand.u32 $0xFFFFFFF0, v46  }
0xe0: {  	v3 =	vor.u32 v3, v4  }
0xe1: {  	v4 =	vperm.xlane v3, v0;
	_ =	sdelay $0x1  }
0xe2: {  	v3 =	vperm.xlane v3, v2;
	v4 =	vadd.s32 v1, v4;
	_ =	sdelay $0x1  }
0xe3: {  	v3 =	vadd.s32 v1, v3;
	_ =	sdelay $0x2  }
0xe4: {  	[tilespmem:s16], [sflag:$0x1] =	stream.indirect_vreg.gather [hbm4b:s1+s3], $0x80, v4, vm0, $0xb8;
	[tilespmem:$0x12280] =	vst v63  }
0xe5: {  	_ = 	snop  }
0xe6: {  	[tilespmem:s19], [sflag:$0x1] =	stream.indirect_vreg.gather [hbm4b:s1+s3], $0x80, v3, vm0, $0xb8;
	[tilespmem:$0x12280] =	vst v63  }
0xe7: {  	v3 =	vld [tilespmem:$0x130];
	_ =	sdelay $0x4  }
0xe8: {  	v47 =	vshll.u32 v3, $0x1  }
0xe9: {  	v3 =	vand.u32 $0x7, v3;
	v4 =	vand.u32 $0xFFFFFFF0, v47  }
0xea: {  	v3 =	vor.u32 v3, v4  }
0xeb: {  	v4 =	vperm.xlane v3, v0;
	_ =	sdelay $0x1  }
0xec: {  	v3 =	vperm.xlane v3, v2;
	v4 =	vadd.s32 v1, v4;
	_ =	sdelay $0x1  }
0xed: {  	v3 =	vadd.s32 v1, v3;
	_ =	sdelay $0x2  }
0xee: {  	[tilespmem:s20], [sflag:$0x1] =	stream.indirect_vreg.gather [hbm4b:s1+s3], $0x80, v4, vm0, $0xb8;
	[tilespmem:$0x12280] =	vst v63  }
0xef: {  	_ = 	snop  }
0xf0: {  	[tilespmem:s21], [sflag:$0x1] =	stream.indirect_vreg.gather [hbm4b:s1+s3], $0x80, v3, vm0, $0xb8;
	[tilespmem:$0x12280] =	vst v63  }
0xf1: {  	v3 =	vld [tilespmem:$0x140];
	_ =	sdelay $0x4  }
0xf2: {  	v48 =	vshll.u32 v3, $0x1  }
0xf3: {  	v3 =	vand.u32 $0x7, v3;
	v4 =	vand.u32 $0xFFFFFFF0, v48  }
0xf4: {  	v3 =	vor.u32 v3, v4  }
0xf5: {  	v4 =	vperm.xlane v3, v0;
	_ =	sdelay $0x1  }
0xf6: {  	v3 =	vperm.xlane v3, v2;
	v4 =	vadd.s32 v1, v4;
	_ =	sdelay $0x1  }
0xf7: {  	v3 =	vadd.s32 v1, v3;
	_ =	sdelay $0x2  }
0xf8: {  	[tilespmem:s22], [sflag:$0x1] =	stream.indirect_vreg.gather [hbm4b:s1+s3], $0x80, v4, vm0, $0xb8;
	[tilespmem:$0x12280] =	vst v63  }
0xf9: {  	_ = 	snop  }
0xfa: {  	[tilespmem:s23], [sflag:$0x1] =	stream.indirect_vreg.gather [hbm4b:s1+s3], $0x80, v3, vm0, $0xb8;
	[tilespmem:$0x12280] =	vst v63  }
0xfb: {  	v3 =	vld [tilespmem:$0x150];
	_ =	sdelay $0x4  }
0xfc: {  	v49 =	vshll.u32 v3, $0x1  }
0xfd: {  	v3 =	vand.u32 $0x7, v3;
	v4 =	vand.u32 $0xFFFFFFF0, v49  }
0xfe: {  	v3 =	vor.u32 v3, v4  }
0xff: {  	v4 =	vperm.xlane v3, v0;
	_ =	sdelay $0x1  }
0x100: {  	v3 =	vperm.xlane v3, v2;
	v4 =	vadd.s32 v1, v4;
	_ =	sdelay $0x1  }
0x101: {  	v3 =	vadd.s32 v1, v3;
	_ =	sdelay $0x2  }
0x102: {  	[tilespmem:s25], [sflag:$0x1] =	stream.indirect_vreg.gather [hbm4b:s1+s3], $0x80, v4, vm0, $0xb8;
	[tilespmem:$0x12280] =	vst v63  }
0x103: {  	_ = 	snop  }
0x104: {  	[tilespmem:s26], [sflag:$0x1] =	stream.indirect_vreg.gather [hbm4b:s1+s3], $0x80, v3, vm0, $0xb8;
	[tilespmem:$0x12280] =	vst v63  }
0x105: {  	v3 =	vld [tilespmem:$0x160];
	_ =	sdelay $0x4  }
0x106: {  	v50 =	vshll.u32 v3, $0x1  }
0x107: {  	v3 =	vand.u32 $0x7, v3;
	v4 =	vand.u32 $0xFFFFFFF0, v50  }
0x108: {  	v3 =	vor.u32 v3, v4  }
0x109: {  	v4 =	vperm.xlane v3, v0;
	_ =	sdelay $0x1  }
0x10a: {  	v3 =	vperm.xlane v3, v2;
	v4 =	vadd.s32 v1, v4;
	_ =	sdelay $0x1  }
0x10b: {  	v3 =	vadd.s32 v1, v3;
	_ =	sdelay $0x2  }
0x10c: {  	[tilespmem:s28], [sflag:$0x1] =	stream.indirect_vreg.gather [hbm4b:s1+s3], $0x80, v4, vm0, $0xb8;
	[tilespmem:$0x12280] =	vst v63  }
0x10d: {  	_ = 	snop  }
0x10e: {  	[tilespmem:s29], [sflag:$0x1] =	stream.indirect_vreg.gather [hbm4b:s1+s3], $0x80, v3, vm0, $0xb8;
	[tilespmem:$0x12280] =	vst v63  }
0x10f: {  	v3 =	vld [tilespmem:$0x170];
	_ =	sdelay $0x4  }
0x110: {  	v51 =	vshll.u32 v3, $0x1  }
0x111: {  	v3 =	vand.u32 $0x7, v3;
	v4 =	vand.u32 $0xFFFFFFF0, v51  }
0x112: {  	v3 =	vor.u32 v3, v4  }
0x113: {  	v4 =	vperm.xlane v3, v0;
	_ =	sdelay $0x1  }
0x114: {  	v3 =	vperm.xlane v3, v2;
	v4 =	vadd.s32 v1, v4;
	_ =	sdelay $0x1  }
0x115: {  	v3 =	vadd.s32 v1, v3;
	_ =	sdelay $0x2  }
0x116: {  	[tilespmem:s30], [sflag:$0x1] =	stream.indirect_vreg.gather [hbm4b:s1+s3], $0x80, v4, vm0, $0xb8;
	[tilespmem:$0x12280] =	vst v63  }
0x117: {  	_ = 	snop  }
0x118: {  	[tilespmem:s31], [sflag:$0x1] =	stream.indirect_vreg.gather [hbm4b:s1+s3], $0x80, v3, vm0, $0xb8;
	[tilespmem:$0x12280] =	vst v63  }
0x119: {  	v3 =	vld [tilespmem:$0x180];
	_ =	sdelay $0x4  }
0x11a: {  	v52 =	vshll.u32 v3, $0x1  }
0x11b: {  	v3 =	vand.u32 $0x7, v3;
	v4 =	vand.u32 $0xFFFFFFF0, v52  }
0x11c: {  	v3 =	vor.u32 v3, v4  }
0x11d: {  	v4 =	vperm.xlane v3, v0;
	_ =	sdelay $0x1  }
0x11e: {  	v3 =	vperm.xlane v3, v2;
	v4 =	vadd.s32 v1, v4;
	_ =	sdelay $0x1  }
0x11f: {  	v3 =	vadd.s32 v1, v3;
	_ =	sdelay $0x2  }
0x120: {  	[tilespmem:s2], [sflag:$0x1] =	stream.indirect_vreg.gather [hbm4b:s1+s3], $0x80, v4, vm0, $0xb8;
	[tilespmem:$0x12280] =	vst v63  }
0x121: {  	_ = 	snop  }
0x122: {  	[tilespmem:s6], [sflag:$0x1] =	stream.indirect_vreg.gather [hbm4b:s1+s3], $0x80, v3, vm0, $0xb8;
	[tilespmem:$0x12280] =	vst v63  }
0x123: {  	v3 =	vld [tilespmem:$0x190];
	_ =	sdelay $0x4  }
0x124: {  	v53 =	vshll.u32 v3, $0x1  }
0x125: {  	v3 =	vand.u32 $0x7, v3;
	v4 =	vand.u32 $0xFFFFFFF0, v53  }
0x126: {  	v3 =	vor.u32 v3, v4  }
0x127: {  	v4 =	vperm.xlane v3, v0;
	_ =	sdelay $0x1  }
0x128: {  	v3 =	vperm.xlane v3, v2;
	v4 =	vadd.s32 v1, v4;
	_ =	sdelay $0x1  }
0x129: {  	v3 =	vadd.s32 v1, v3;
	_ =	sdelay $0x2  }
0x12a: {  	[tilespmem:s7], [sflag:$0x1] =	stream.indirect_vreg.gather [hbm4b:s1+s3], $0x80, v4, vm0, $0xb8;
	[tilespmem:$0x12280] =	vst v63  }
0x12b: {  	_ = 	snop  }
0x12c: {  	[tilespmem:s8], [sflag:$0x1] =	stream.indirect_vreg.gather [hbm4b:s1+s3], $0x80, v3, vm0, $0xb8;
	[tilespmem:$0x12280] =	vst v63  }
0x12d: {  	v3 =	vld [tilespmem:$0x1A0];
	_ =	sdelay $0x4  }
0x12e: {  	v54 =	vshll.u32 v3, $0x1  }
0x12f: {  	v3 =	vand.u32 $0x7, v3;
	v4 =	vand.u32 $0xFFFFFFF0, v54  }
0x130: {  	v3 =	vor.u32 v3, v4  }
0x131: {  	v4 =	vperm.xlane v3, v0;
	_ =	sdelay $0x1  }
0x132: {  	v3 =	vperm.xlane v3, v2;
	v4 =	vadd.s32 v1, v4;
	_ =	sdelay $0x1  }
0x133: {  	v3 =	vadd.s32 v1, v3;
	_ =	sdelay $0x2  }
0x134: {  	[tilespmem:s9], [sflag:$0x1] =	stream.indirect_vreg.gather [hbm4b:s1+s3], $0x80, v4, vm0, $0xb8;
	[tilespmem:$0x12280] =	vst v63  }
0x135: {  	_ = 	snop  }
0x136: {  	[tilespmem:s10], [sflag:$0x1] =	stream.indirect_vreg.gather [hbm4b:s1+s3], $0x80, v3, vm0, $0xb8;
	[tilespmem:$0x12280] =	vst v63  }
0x137: {  	_ =	swait.ge [sflag:s17], $0x9000  }
0x138: {  	[sflag:s17] =	ssyncset.done $0x0  }
0x139: {  	s2 =	rddreg [dreg:$0x6];
	[sflag:s17] =	ssyncadd.s32 $0xFFFF7000  }
0x13a: {  	[hbm4b:s2+s3] =	stream.linear.scatter [tilespmem:s0], [sflag:$0x3], $0x9000, $0x38;
	[tilespmem:$0x12280] =	vst v63  }
0x13b: {  	_ =	swait.ge [sflag:s5], $0x9000  }
0x13c: {  	[sflag:s5] =	ssyncset.done $0x0  }
0x13d: {  	[sflag:s5] =	ssyncadd.s32 $0xFFFF7000  }
0x13e: {  	v3 =	vld [tilespmem:$0x1B0];
	_ =	sdelay $0x4  }
0x13f: {  	v55 =	vshll.u32 v3, $0x1  }
0x140: {  	v3 =	vand.u32 $0x7, v3;
	v4 =	vand.u32 $0xFFFFFFF0, v55  }
0x141: {  	v3 =	vor.u32 v3, v4  }
0x142: {  	v4 =	vperm.xlane v3, v0;
	_ =	sdelay $0x1  }
0x143: {  	v3 =	vperm.xlane v3, v2;
	v4 =	vadd.s32 v1, v4;
	_ =	sdelay $0x1  }
0x144: {  	v3 =	vadd.s32 v1, v3;
	_ =	sdelay $0x2  }
0x145: {  	[tilespmem:s0], [sflag:$0x2] =	stream.indirect_vreg.gather [hbm4b:s1+s3], $0x80, v4, vm0, $0xb8;
	[tilespmem:$0x12280] =	vst v63  }
0x146: {  	s18 =	simm.s32 $0x9A80  }
0x147: {  	[tilespmem:s18], [sflag:$0x2] =	stream.indirect_vreg.gather [hbm4b:s1+s3], $0x80, v3, vm0, $0xb8;
	[tilespmem:$0x12280] =	vst v63  }
0x148: {  	v3 =	vld [tilespmem:$0x1C0];
	_ =	sdelay $0x4  }
0x149: {  	v56 =	vshll.u32 v3, $0x1  }
0x14a: {  	v3 =	vand.u32 $0x7, v3;
	v4 =	vand.u32 $0xFFFFFFF0, v56  }
0x14b: {  	v3 =	vor.u32 v3, v4  }
0x14c: {  	v4 =	vperm.xlane v3, v0;
	_ =	sdelay $0x1  }
0x14d: {  	v3 =	vperm.xlane v3, v2;
	v4 =	vadd.s32 v1, v4;
	_ =	sdelay $0x1  }
0x14e: {  	v3 =	vadd.s32 v1, v3;
	_ =	sdelay $0x2  }
0x14f: {  	[tilespmem:s12], [sflag:$0x2] =	stream.indirect_vreg.gather [hbm4b:s1+s3], $0x80, v4, vm0, $0xb8;
	[tilespmem:$0x12280] =	vst v63  }
0x150: {  	_ = 	snop  }
0x151: {  	[tilespmem:s13], [sflag:$0x2] =	stream.indirect_vreg.gather [hbm4b:s1+s3], $0x80, v3, vm0, $0xb8;
	[tilespmem:$0x12280] =	vst v63  }
0x152: {  	v3 =	vld [tilespmem:$0x1D0];
	_ =	sdelay $0x4  }
0x153: {  	v57 =	vshll.u32 v3, $0x1  }
0x154: {  	v3 =	vand.u32 $0x7, v3;
	v4 =	vand.u32 $0xFFFFFFF0, v57  }
0x155: {  	v3 =	vor.u32 v3, v4  }
0x156: {  	v4 =	vperm.xlane v3, v0;
	_ =	sdelay $0x1  }
0x157: {  	v3 =	vperm.xlane v3, v2;
	v4 =	vadd.s32 v1, v4;
	_ =	sdelay $0x1  }
0x158: {  	v3 =	vadd.s32 v1, v3;
	_ =	sdelay $0x2  }
0x159: {  	[tilespmem:s14], [sflag:$0x2] =	stream.indirect_vreg.gather [hbm4b:s1+s3], $0x80, v4, vm0, $0xb8;
	[tilespmem:$0x12280] =	vst v63  }
0x15a: {  	_ = 	snop  }
0x15b: {  	[tilespmem:s15], [sflag:$0x2] =	stream.indirect_vreg.gather [hbm4b:s1+s3], $0x80, v3, vm0, $0xb8;
	[tilespmem:$0x12280] =	vst v63  }
0x15c: {  	v3 =	vld [tilespmem:$0x1E0];
	_ =	sdelay $0x4  }
0x15d: {  	v58 =	vshll.u32 v3, $0x1  }
0x15e: {  	v3 =	vand.u32 $0x7, v3;
	v4 =	vand.u32 $0xFFFFFFF0, v58  }
0x15f: {  	v3 =	vor.u32 v3, v4  }
0x160: {  	v4 =	vperm.xlane v3, v0;
	_ =	sdelay $0x1  }
0x161: {  	v3 =	vperm.xlane v3, v2;
	v4 =	vadd.s32 v1, v4;
	_ =	sdelay $0x1  }
0x162: {  	v3 =	vadd.s32 v1, v3;
	_ =	sdelay $0x2  }
0x163: {  	[tilespmem:s24], [sflag:$0x2] =	stream.indirect_vreg.gather [hbm4b:s1+s3], $0x80, v4, vm0, $0xb8;
	[tilespmem:$0x12280] =	vst v63  }
0x164: {  	s18 =	simm.s32 $0xCA80  }
0x165: {  	[tilespmem:s18], [sflag:$0x2] =	stream.indirect_vreg.gather [hbm4b:s1+s3], $0x80, v3, vm0, $0xb8;
	[tilespmem:$0x12280] =	vst v63  }
0x166: {  	v3 =	vld [tilespmem:$0x1F0];
	_ =	sdelay $0x4  }
0x167: {  	v59 =	vshll.u32 v3, $0x1  }
0x168: {  	v3 =	vand.u32 $0x7, v3;
	v4 =	vand.u32 $0xFFFFFFF0, v59  }
0x169: {  	v3 =	vor.u32 v3, v4  }
0x16a: {  	v4 =	vperm.xlane v3, v0;
	_ =	sdelay $0x1  }
0x16b: {  	v3 =	vperm.xlane v3, v2;
	v4 =	vadd.s32 v1, v4;
	_ =	sdelay $0x1  }
0x16c: {  	v3 =	vadd.s32 v1, v3;
	_ =	sdelay $0x1  }
0x16d: {  	s12 =	simm.s32 $0xD280  }
0x16e: {  	[tilespmem:s12], [sflag:$0x2] =	stream.indirect_vreg.gather [hbm4b:s1+s3], $0x80, v4, vm0, $0xb8;
	[tilespmem:$0x12280] =	vst v63  }
0x16f: {  	s18 =	simm.s32 $0xDA80  }
0x170: {  	[tilespmem:s18], [sflag:$0x2] =	stream.indirect_vreg.gather [hbm4b:s1+s3], $0x80, v3, vm0, $0xb8;
	[tilespmem:$0x12280] =	vst v63  }
0x171: {  	v3 =	vld [tilespmem:$0x200];
	_ =	sdelay $0x4  }
0x172: {  	v60 =	vshll.u32 v3, $0x1  }
0x173: {  	v3 =	vand.u32 $0x7, v3;
	v4 =	vand.u32 $0xFFFFFFF0, v60  }
0x174: {  	v3 =	vor.u32 v3, v4  }
0x175: {  	v4 =	vperm.xlane v3, v0;
	_ =	sdelay $0x1  }
0x176: {  	v3 =	vperm.xlane v3, v2;
	v4 =	vadd.s32 v1, v4;
	_ =	sdelay $0x1  }
0x177: {  	v3 =	vadd.s32 v1, v3;
	_ =	sdelay $0x1  }
0x178: {  	s12 =	simm.s32 $0xE280  }
0x179: {  	[tilespmem:s12], [sflag:$0x2] =	stream.indirect_vreg.gather [hbm4b:s1+s3], $0x80, v4, vm0, $0xb8;
	[tilespmem:$0x12280] =	vst v63  }
0x17a: {  	s18 =	simm.s32 $0xEA80  }
0x17b: {  	[tilespmem:s18], [sflag:$0x2] =	stream.indirect_vreg.gather [hbm4b:s1+s3], $0x80, v3, vm0, $0xb8;
	[tilespmem:$0x12280] =	vst v63  }
0x17c: {  	v3 =	vld [tilespmem:$0x210];
	_ =	sdelay $0x4  }
0x17d: {  	v61 =	vshll.u32 v3, $0x1  }
0x17e: {  	v3 =	vand.u32 $0x7, v3;
	v4 =	vand.u32 $0xFFFFFFF0, v61  }
0x17f: {  	v3 =	vor.u32 v3, v4  }
0x180: {  	v4 =	vperm.xlane v3, v0;
	_ =	sdelay $0x1  }
0x181: {  	v3 =	vperm.xlane v3, v2;
	v4 =	vadd.s32 v1, v4;
	_ =	sdelay $0x1  }
0x182: {  	v3 =	vadd.s32 v1, v3;
	_ =	sdelay $0x1  }
0x183: {  	s12 =	simm.s32 $0xF280  }
0x184: {  	[tilespmem:s12], [sflag:$0x2] =	stream.indirect_vreg.gather [hbm4b:s1+s3], $0x80, v4, vm0, $0xb8;
	[tilespmem:$0x12280] =	vst v63  }
0x185: {  	s18 =	simm.s32 $0xFA80  }
0x186: {  	[tilespmem:s18], [sflag:$0x2] =	stream.indirect_vreg.gather [hbm4b:s1+s3], $0x80, v3, vm0, $0xb8;
	[tilespmem:$0x12280] =	vst v63  }
0x187: {  	v3 =	vld [tilespmem:$0x220];
	_ =	sdelay $0x4  }
0x188: {  	v62 =	vshll.u32 v3, $0x1  }
0x189: {  	v3 =	vand.u32 $0x7, v3;
	v4 =	vand.u32 $0xFFFFFFF0, v62  }
0x18a: {  	v3 =	vor.u32 v3, v4  }
0x18b: {  	v4 =	vperm.xlane v3, v0;
	_ =	sdelay $0x1  }
0x18c: {  	v3 =	vperm.xlane v3, v2;
	v4 =	vadd.s32 v1, v4;
	_ =	sdelay $0x1  }
0x18d: {  	v3 =	vadd.s32 v1, v3;
	_ =	sdelay $0x1  }
0x18e: {  	s12 =	simm.s32 $0x10280  }
0x18f: {  	[tilespmem:s12], [sflag:$0x2] =	stream.indirect_vreg.gather [hbm4b:s1+s3], $0x80, v4, vm0, $0xb8;
	[tilespmem:$0x12280] =	vst v63  }
0x190: {  	s18 =	simm.s32 $0x10A80  }
0x191: {  	[tilespmem:s18], [sflag:$0x2] =	stream.indirect_vreg.gather [hbm4b:s1+s3], $0x80, v3, vm0, $0xb8;
	[tilespmem:$0x12280] =	vst v63  }
0x192: {  	v3 =	vld [tilespmem:$0x230];
	_ =	sdelay $0x4  }
0x193: {  	v63 =	vshll.u32 v3, $0x1  }
0x194: {  	v3 =	vand.u32 $0x7, v3;
	v4 =	vand.u32 $0xFFFFFFF0, v63  }
0x195: {  	v3 =	vor.u32 v3, v4  }
0x196: {  	v4 =	vperm.xlane v3, v0;
	_ =	sdelay $0x1  }
0x197: {  	v3 =	vperm.xlane v3, v2;
	v4 =	vadd.s32 v1, v4;
	_ =	sdelay $0x1  }
0x198: {  	v3 =	vadd.s32 v1, v3;
	_ =	sdelay $0x1  }
0x199: {  	s12 =	simm.s32 $0x11280  }
0x19a: {  	[tilespmem:s12], [sflag:$0x2] =	stream.indirect_vreg.gather [hbm4b:s1+s3], $0x80, v4, vm0, $0xb8;
	[tilespmem:$0x12280] =	vst v63  }
0x19b: {  	s18 =	simm.s32 $0x11A80  }
0x19c: {  	[tilespmem:s18], [sflag:$0x2] =	stream.indirect_vreg.gather [hbm4b:s1+s3], $0x80, v3, vm0, $0xb8;
	[tilespmem:$0x12280] =	vst v63  }
0x19d: {  	_ =	swait.ge [sflag:s11], $0x9000  }
0x19e: {  	[sflag:s11] =	ssyncset.done $0x0  }
0x19f: {  	s16 =	simm.s32 $0x280;
	s12 =	rddreg [dreg:$0x7];
	[sflag:s11] =	ssyncadd.s32 $0xFFFF7000  }
0x1a0: {  	[hbm4b:s12+s3] =	stream.linear.scatter [tilespmem:s16], [sflag:$0x3], $0x9000, $0x38;
	[tilespmem:$0x12280] =	vst v63  }
0x1a1: {  	_ =	swait.ge [sflag:s5], $0x9000  }
0x1a2: {  	[sflag:s5] =	ssyncset.done $0x0  }
0x1a3: {  	[sflag:s5] =	ssyncadd.s32 $0xFFFF7000  }
0x1a4: {  	_ =	swait.ge [sflag:s17], $0x9000  }
0x1a5: {  	p0 =	sne.s32 s4, $0x1;
	[sflag:s17] =	ssyncset.done $0x0  }
.Ltmp0:
0x1a6: {  	s16 =	rddreg [dreg:$0x8];
	[sflag:s17] =	ssyncadd.s32 $0xFFFF7000;
	(pc) =	sbr.rel @p0 .LBB2_1-.Ltmp0, $4  }
0x1a7: {  	[hbm4b:s16+s3] =	stream.linear.scatter [tilespmem:s0], [sflag:$0x3], $0x9000, $0x38;
	[tilespmem:$0x12280] =	vst v63  }
0x1a8: {  	_ =	swait.ge [sflag:s5], $0x9000  }
0x1a9: {  	[sflag:s5] =	ssyncset.done $0x0  }
0x1aa: {  	s4 =	sadd.s32 $0xFFFFFFFF, s4;
	[sflag:s5] =	ssyncadd.s32 $0xFFFF7000  }
0x1ab: {  	_ =	sfence.sel $0x180000  }
0x1ac: {  	[bflag:$0x0] =	sbarrier.arrive $0xFFFF  }
0x1ad: {  	_ =	strace $0x90000047  }
0x1ae: {  	s0 =	stileid.u32;
	[bflag:$0x2] =	sbarrier.arrive $0xFFFF  }
0x1af: {  	p0 =	sne.s32 s0, $0x0;
	s0 =	rddreg [dreg:$0x3]  }
0x1b0: {  	s0 =	sadd.s32 @!p0 $0x100000, s0  }
0x1b1: {  	[sflag:s0] =	ssyncadd.tile.s32 @!p0 $0x1;
	_ =	shalt  }
.Lfunc_end2:
_tile_overlayer_lowered:
.L_overlay_start_2:
0x1b2: {  	(tag) =	ssettag $0x2  }
0x1b3: {  	s0 =	rddreg [dreg:$0x0];
	s2 =	stileid.u32  }
0x1b4: {  	s1 =	rddreg [dreg:$0x1];
	p0 =	sne.s32 s2, $0x0  }
0x1b5: {  	s3 =	rddreg [dreg:$0x2];
	[bflag:$0x3] =	sbarrier.arrive $0xFFFF;
	s2 =	simm.s32 @!p0 $0x1C03  }
0x1b6: {  	[timem:s3], [sflag:s2] =	dma.local @!p0 [hbm:s0], s1  }
0x1b7: {  	s0 =	simm.s32 @!p0 $0x3  }
0x1b8: {  	_ =	swait.ge @!p0 [sflag:s0], s1  }
0x1b9: {  	s1 =	ssub.s32 @!p0 $0x0, s1;
	[sflag:s0] =	ssyncset.done @!p0 $0x0  }
0x1ba: {  	[sflag:s0] =	ssyncadd.s32 @!p0 s1  }
0x1bb: {  	[bflag:$0x3] =	sbarrier.arrive $0xFFFF  }
0x1bc: {  	_ =	shalt  }

</sc_bundles>
